<compile_context>
chip_gen: v7x
topology: tpu7x:2x2x1
jax: 0.10.2.dev20260603
libtpu: 0.0.44.dev20260713+nightly
codegen_flags: <defaults>
</compile_context>

<pallas_src>
import jax
import jax.numpy as jnp
from jax import lax
from jax.experimental import pallas as pl
from jax.experimental.pallas import tpu as pltpu
from jax.experimental.pallas import tpu_sc as plsc

K = 20
N = 1024
ROWS = 32 * 768
BLOCK_R = 512
SEARCH_BITS = 16

def _body(x_ref, o_ref):
    _SIGN = jnp.int32(-(2**31))
    _MAXP = jnp.int32(0x7FFFFFFF)
    _B16 = jnp.int32(0x8000)
    x = x_ref[...]
    r = x.shape[0]
    i = jax.lax.bitcast_convert_type(x, jnp.int32)
    skey = i ^ (jax.lax.shift_right_arithmetic(i, 31) & _MAXP)
    kf = jnp.float32(K)
    p_hi = jnp.zeros((r, 1), jnp.int32)
    p_lo = jnp.zeros((r, 1), jnp.int32)
    for b in range(31, 31 - SEARCH_BITS, -1):
        bit = jnp.int32(1 << b) if b < 31 else _SIGN
        cand_hi = p_hi | bit
        cand_lo = p_lo | bit
        c_hi = jnp.sum((skey >= (cand_hi ^ _SIGN)).astype(jnp.float32),
                       axis=1, keepdims=True)
        c_lo = jnp.sum((skey <= (~cand_lo ^ _SIGN)).astype(jnp.float32),
                       axis=1, keepdims=True)
        p_hi = jnp.where(c_hi >= kf, cand_hi, p_hi)
        p_lo = jnp.where(c_lo >= kf, cand_lo, p_lo)

    ts_hi = p_hi ^ _SIGN
    ts_lo = ~p_lo ^ _SIGN

    gt = skey > ts_hi
    lt = skey < ts_lo
    cnt_gt = jnp.sum(gt.astype(jnp.float32), axis=1, keepdims=True)
    cnt_lt = jnp.sum(lt.astype(jnp.float32), axis=1, keepdims=True)
    sum_gt = jnp.sum(jnp.where(gt, x, 0.0), axis=1, keepdims=True)
    sum_lt = jnp.sum(jnp.where(lt, x, 0.0), axis=1, keepdims=True)

    iv_hi = jnp.where(ts_hi >= 0, ts_hi, ts_hi ^ _MAXP)
    iv_lo = jnp.where(ts_lo >= 0, ts_lo, ts_lo ^ _MAXP)
    v_hi = jax.lax.bitcast_convert_type(iv_hi, jnp.float32)
    v_lo = jax.lax.bitcast_convert_type(iv_lo, jnp.float32)

    top = sum_gt + v_hi * (kf - cnt_gt)
    bot = sum_lt + v_lo * (kf - cnt_lt)
    o_ref[...] = ((top + bot) * jnp.float32(0.5 / K))[:, 0]


def _tc_call(flat, row_start, rows):
    blk0 = row_start // BLOCK_R
    return pl.pallas_call(
        _body,
        grid=(rows // BLOCK_R,),
        in_specs=[pl.BlockSpec((BLOCK_R, N), lambda b: (b + blk0, 0))],
        out_specs=pl.BlockSpec((BLOCK_R,), lambda b: (b,)),
        out_shape=jax.ShapeDtypeStruct((rows,), jnp.float32),
    )(flat)



_NW = 32
SC_CHUNK = 32


def _rev(x):
    return lax.rev(x, (0,))


def _sc_body(x_hbm, o_hbm, rowbuf, candT, candB, outbuf, sem):
    rows_w = o_hbm.shape[0] // _NW
    wid = lax.axis_index("s") * 2 + lax.axis_index("c")
    idx = lax.iota(jnp.int32, 16)
    ninf = jnp.full((16,), -jnp.inf, jnp.float32)
    pinf = jnp.full((16,), jnp.inf, jnp.float32)
    zero16i = jnp.zeros((16,), jnp.int32)

    def chunk_body(ci, _):
        rowbase = wid * rows_w + ci * SC_CHUNK
        pltpu.sync_copy(x_hbm.at[pl.ds(rowbase, SC_CHUNK)], rowbuf)

        def group_body(g, _):
            def row_body(r, resv):
                rc = g * 16 + r

                def pre(j, carry):
                    m1, m2, n1, n2 = carry
                    a = rowbuf[rc, pl.ds(j * 16, 16)]
                    b = rowbuf[rc, pl.ds(512 + j * 16, 16)]
                    return (jnp.maximum(m1, a), jnp.maximum(m2, b),
                            jnp.minimum(n1, a), jnp.minimum(n2, b))

                m1, m2, n1, n2 = lax.fori_loop(0, 32, pre,
                                               (ninf, ninf, pinf, pinf),
                                               unroll=4)
                s1, s2 = jnp.sort(m1), jnp.sort(m2)
                blo = jnp.sort(jnp.minimum(s1, _rev(s2)))
                L = jnp.min(jnp.where(idx >= 12, blo, jnp.inf))
                t1, t2 = jnp.sort(n1), jnp.sort(n2)
                thi = jnp.sort(jnp.maximum(t1, _rev(t2)))
                U = jnp.max(jnp.where(idx <= 3, thi, -jnp.inf))

                def scan_chunk(j, carry):
                    offT, offB = carry
                    x = rowbuf[rc, pl.ds(j * 16, 16)]
                    mT = x >= L
                    mB = x <= U
                    pT = jnp.cumsum(mT.astype(jnp.int32))
                    pB = jnp.cumsum(mB.astype(jnp.int32))
                    plsc.store_scatter(candT, [offT + pT - 1], x, mask=mT)
                    plsc.store_scatter(candB, [offB + pB - 1], x, mask=mB)
                    cT = plsc.all_reduce_population_count(mT)
                    cB = plsc.all_reduce_population_count(mB)
                    return (offT + cT, offB + cB)

                offT, offB = lax.fori_loop(0, 64, scan_chunk,
                                           (zero16i, zero16i), unroll=4)
                plsc.store_scatter(candT, [offT + idx], ninf)
                plsc.store_scatter(candB, [offB + idx], pinf)
                ncT = (jnp.max(offT) + 15) // 16
                ncB = (jnp.max(offB) + 15) // 16

                def merge_top(k, carry):
                    plo, phi = carry
                    c = jnp.sort(candT[pl.ds(k * 16, 16)])
                    t = jnp.sort(jnp.maximum(plo, _rev(c)))
                    phi2 = jnp.sort(jnp.maximum(phi, _rev(t)))
                    plo2 = jnp.sort(jnp.minimum(phi, _rev(t)))
                    return (plo2, phi2)

                plo, phi = lax.fori_loop(0, ncT, merge_top, (ninf, ninf))
                topsum = (jnp.sum(phi)
                          + jnp.sum(jnp.where(idx >= 12, plo, 0.0)))

                def merge_bot(k, carry):
                    qlo, qhi = carry
                    c = jnp.sort(candB[pl.ds(k * 16, 16)])
                    t = jnp.sort(jnp.minimum(qhi, _rev(c)))
                    qlo2 = jnp.sort(jnp.minimum(qlo, _rev(t)))
                    qhi2 = jnp.sort(jnp.maximum(qlo, _rev(t)))
                    return (qlo2, qhi2)

                qlo, qhi = lax.fori_loop(0, ncB, merge_bot, (pinf, pinf))
                botsum = (jnp.sum(qlo)
                          + jnp.sum(jnp.where(idx <= 3, qhi, 0.0)))

                val = (topsum + botsum) * jnp.float32(0.5 / K)
                return jnp.where(idx == r, val, resv)

            resv = lax.fori_loop(0, 16, row_body, jnp.zeros((16,), jnp.float32))
            outbuf[pl.ds(ci * SC_CHUNK + g * 16, 16)] = resv
            return 0

        lax.fori_loop(0, SC_CHUNK // 16, group_body, 0)
        return 0

    lax.fori_loop(0, rows_w // SC_CHUNK, chunk_body, 0)
    pltpu.sync_copy(outbuf, o_hbm.at[pl.ds(wid * rows_w, rows_w)])


def _sc_call(flat2d, rows):
    mesh = plsc.VectorSubcoreMesh(core_axis_name="c", subcore_axis_name="s")
    rows_w = rows // _NW
    f = pl.kernel(
        _sc_body,
        out_type=jax.ShapeDtypeStruct((rows,), jnp.float32),
        mesh=mesh,
        scratch_types=[
            pltpu.VMEM((SC_CHUNK, N), jnp.float32),
            pltpu.VMEM((N + 16,), jnp.float32),
            pltpu.VMEM((N + 16,), jnp.float32),
            pltpu.VMEM((rows_w,), jnp.float32),
            pltpu.SemaphoreType.DMA,
        ],
        compiler_params=pltpu.CompilerParams(needs_layout_passes=False),
    )
    return f(flat2d)


SC_ROWS = 8 * 1024


def kernel(input):
    bsz, nch, h, w = input.shape
    flat = input.reshape(bsz * nch, h * w)
    sc_out = _sc_call(flat, SC_ROWS)
    tc_out = _tc_call(flat, SC_ROWS, ROWS - SC_ROWS)
    out = jnp.concatenate([sc_out, tc_out])
    return out.reshape(bsz, nch)

# --- scband reference (transcript-rebuilt; emitter-appended) ---
"""Pipeline reference for scband-weldon-pool2d-10797547782188 (READ-ONLY COPY).

The authoritative reference and input builder live on the scoring server;
editing this copy changes nothing except your own understanding.
"""

import jax, jax.numpy as jnp
import numpy as np

KMAX = 20
KMIN = 20


def _get_number_of_instances(k, n):
    if k <= 0:
        return 0
    elif k < 1:
        return int(round(k * n))
    elif k > n:
        return int(n)
    else:
        return int(k)


def setup_inputs(seed: int = 0) -> dict:
    key = jax.random.key(seed)
    x = jax.random.normal(key, (32, 768, 32, 32), dtype=jnp.float32)
    return {"input": x}


def reference(input) -> jnp.ndarray:
    batch_size, num_channels, h, w = input.shape
    n = h * w
    kmax = _get_number_of_instances(KMAX, n)
    kmin = _get_number_of_instances(KMIN, n)
    flat = input.reshape(batch_size, num_channels, n)
    # sort descending along last dim
    sorted_desc = jnp.sort(flat, axis=2)[..., ::-1]
    output = jnp.sum(sorted_desc[..., :kmax], axis=2) / kmax
    if kmin > 0:
        output = (output + jnp.sum(sorted_desc[..., n - kmin:], axis=2) / kmin) / 2.0
    return output

if __name__ == "__main__":
    import jax
    _d = setup_inputs()
    print(jax.jit(kernel)(*tuple(_d.values())))

</pallas_src>

<mosaic_0001>
#map = affine_map<(d0, d1) -> (0, 0)>
#map1 = affine_map<(d0, d1) -> (0)>
module attributes {stable_mosaic.version = 14 : i64} {
  func.func @_sc_body(%arg0: i32, %arg1: i32, %arg2: memref<24576x1024xf32, #tpu.memory_space<hbm>>, %arg3: memref<8192xf32, #tpu.memory_space<hbm>>, %arg4: memref<32x1024xf32, #tpu.memory_space<vmem>>, %arg5: memref<1040xf32, #tpu.memory_space<vmem>>, %arg6: memref<1040xf32, #tpu.memory_space<vmem>>, %arg7: memref<256xf32, #tpu.memory_space<vmem>>, %arg8: memref<!tpu.dma_semaphore, #tpu.memory_space<semaphore_mem>>) attributes {dimension_semantics = [#tpu.dimension_semantics<core_parallel>, #tpu.dimension_semantics<subcore_parallel>], iteration_bounds = array<i64: 2, 16>, scalar_prefetch = 0 : i64, scratch_operands = 5 : i64, tpu.core_type = #tpu.core_type<sc_vector_subcore>, window_params = [{transform_indices = #map}, {transform_indices = #map1}]} {
    %mul3A = arith.constant 2 : i32
    %mul3A_0 = arith.muli %arg1, %mul3A : i32
    %add3A = arith.addi %mul3A_0, %arg0 : i32
    %iota3A = tpu.iota {dimensions = array<i32: 0>} : vector<16xi32>
    %broadcast_in_dim3A = arith.constant 0xFF800000 : f32
    %broadcast_in_dim3A_1 = vector.broadcast %broadcast_in_dim3A : f32 to vector<16xf32>
    %broadcast_in_dim3A_2 = arith.constant 0x7F800000 : f32
    %broadcast_in_dim3A_3 = vector.broadcast %broadcast_in_dim3A_2 : f32 to vector<16xf32>
    %broadcast_in_dim3A_4 = arith.constant 0 : i32
    %broadcast_in_dim3A_5 = vector.broadcast %broadcast_in_dim3A_4 : i32 to vector<16xi32>
    %scan3A = arith.constant 0 : i32
    %scan3A_6 = arith.constant 0 : i32
    %scan3A_7 = arith.constant 8 : i32
    %scan3A_8 = arith.addi %scan3A_6, %scan3A_7 : i32
    %scan3A_9 = arith.constant 1 : i32
    %scan3A_10 = scf.for %scan3A_14 = %scan3A_6 to %scan3A_8 step %scan3A_9 iter_args(%scan3A_15 = %scan3A) -> (i32)  : i32 {
      %mul3A_16 = arith.constant 256 : i32
      %mul3A_17 = arith.muli %add3A, %mul3A_16 : i32
      %mul3A_18 = arith.constant 32 : i32
      %mul3A_19 = arith.muli %scan3A_14, %mul3A_18 : i32
      %add3A_20 = arith.addi %mul3A_17, %mul3A_19 : i32
      "tpu.region"() ({
        %run_scoped3A = tpu.sem_alloc : memref<!tpu.dma_semaphore, #tpu.memory_space<semaphore_mem>>
        %dma_start3A = arith.constant 0 : i32
        %dma_start3A_29 = tpu.memref_slice %arg2[%add3A_20, %dma_start3A] : memref<24576x1024xf32, #tpu.memory_space<hbm>> -> memref<32x1024xf32, #tpu.memory_space<hbm>>
        %dma_start3A_30 = arith.constant 0 : i32
        %dma_start3A_31 = tpu.memref_slice %arg2[%add3A_20, %dma_start3A_30] : memref<24576x1024xf32, #tpu.memory_space<hbm>> -> memref<32x1024xf32, #tpu.memory_space<hbm>>
        tpu.enqueue_dma source(%dma_start3A_31 : memref<32x1024xf32, #tpu.memory_space<hbm>>) target(%arg4 : memref<32x1024xf32, #tpu.memory_space<vmem>>) target_semaphore(%run_scoped3A : memref<!tpu.dma_semaphore, #tpu.memory_space<semaphore_mem>>)
        %dma_wait3A = arith.constant 0 : i32
        %dma_wait3A_32 = tpu.memref_slice %arg2[%add3A_20, %dma_wait3A] : memref<24576x1024xf32, #tpu.memory_space<hbm>> -> memref<32x1024xf32, #tpu.memory_space<hbm>>
        %dma_wait3A_33 = arith.constant 0 : i32
        %dma_wait3A_34 = tpu.memref_slice %arg2[%add3A_20, %dma_wait3A_33] : memref<24576x1024xf32, #tpu.memory_space<hbm>> -> memref<32x1024xf32, #tpu.memory_space<hbm>>
        tpu.wait_dma2 semaphore(%run_scoped3A : memref<!tpu.dma_semaphore, #tpu.memory_space<semaphore_mem>>) src(%dma_wait3A_34 : memref<32x1024xf32, #tpu.memory_space<hbm>>) dst(%arg4 : memref<32x1024xf32, #tpu.memory_space<vmem>>)
        tpu.yield
      }) : () -> ()
      %scan3A_21 = arith.constant 0 : i32
      %scan3A_22 = arith.constant 0 : i32
      %scan3A_23 = arith.constant 2 : i32
      %scan3A_24 = arith.addi %scan3A_22, %scan3A_23 : i32
      %scan3A_25 = arith.constant 1 : i32
      %scan3A_26 = scf.for %scan3A_29 = %scan3A_22 to %scan3A_24 step %scan3A_25 iter_args(%scan3A_30 = %scan3A_21) -> (i32)  : i32 {
        %broadcast_in_dim3A_31 = arith.constant 0.000000e+00 : f32
        %broadcast_in_dim3A_32 = vector.broadcast %broadcast_in_dim3A_31 : f32 to vector<16xf32>
        %scan3A_33 = arith.constant 0 : i32
        %scan3A_34 = arith.constant 16 : i32
        %scan3A_35 = arith.addi %scan3A_33, %scan3A_34 : i32
        %scan3A_36 = arith.constant 1 : i32
        %scan3A_37 = scf.for %scan3A_46 = %scan3A_33 to %scan3A_35 step %scan3A_36 iter_args(%scan3A_47 = %broadcast_in_dim3A_32) -> (vector<16xf32>)  : i32 {
          %mul3A_48 = arith.constant 16 : i32
          %mul3A_49 = arith.muli %scan3A_29, %mul3A_48 : i32
          %add3A_50 = arith.addi %mul3A_49, %scan3A_46 : i32
          %scan3A_51 = arith.constant 0 : i32
          %scan3A_52 = arith.constant 32 : i32
          %scan3A_53 = arith.addi %scan3A_51, %scan3A_52 : i32
          %scan3A_54 = arith.constant 4 : i32
          %scan3A_55:4 = scf.for %scan3A_229 = %scan3A_51 to %scan3A_53 step %scan3A_54 iter_args(%scan3A_230 = %broadcast_in_dim3A_1, %scan3A_231 = %broadcast_in_dim3A_1, %scan3A_232 = %broadcast_in_dim3A_3, %scan3A_233 = %broadcast_in_dim3A_3) -> (vector<16xf32>, vector<16xf32>, vector<16xf32>, vector<16xf32>)  : i32 {
            %mul3A_234 = arith.constant 16 : i32
            %mul3A_235 = arith.muli %scan3A_229, %mul3A_234 : i32
            %get3A = arith.index_cast %add3A_50 : i32 to index
            %get3A_236 = arith.index_cast %mul3A_235 : i32 to index
            %get3A_237 = tpu.vector_load %arg4[%get3A, %get3A_236] {strides = array<i32>} : memref<32x1024xf32, #tpu.memory_space<vmem>>, vector<16xf32>,
            %mul3A_238 = arith.constant 16 : i32
            %mul3A_239 = arith.muli %scan3A_229, %mul3A_238 : i32
            %add3A_240 = arith.constant 512 : i32
            %add3A_241 = arith.addi %add3A_240, %mul3A_239 : i32
            %get3A_242 = arith.index_cast %add3A_50 : i32 to index
            %get3A_243 = arith.index_cast %add3A_241 : i32 to index
            %get3A_244 = tpu.vector_load %arg4[%get3A_242, %get3A_243] {strides = array<i32>} : memref<32x1024xf32, #tpu.memory_space<vmem>>, vector<16xf32>,
            %max3A_245 = arith.maximumf %scan3A_230, %get3A_237 : vector<16xf32>
            %max3A_246 = arith.maximumf %scan3A_231, %get3A_244 : vector<16xf32>
            %min3A_247 = arith.minimumf %scan3A_232, %get3A_237 : vector<16xf32>
            %min3A_248 = arith.minimumf %scan3A_233, %get3A_244 : vector<16xf32>
            %scan3A_249 = arith.constant 1 : i32
            %scan3A_250 = arith.addi %scan3A_229, %scan3A_249 : i32
            %mul3A_251 = arith.constant 16 : i32
            %mul3A_252 = arith.muli %scan3A_250, %mul3A_251 : i32
            %get3A_253 = arith.index_cast %add3A_50 : i32 to index
            %get3A_254 = arith.index_cast %mul3A_252 : i32 to index
            %get3A_255 = tpu.vector_load %arg4[%get3A_253, %get3A_254] {strides = array<i32>} : memref<32x1024xf32, #tpu.memory_space<vmem>>, vector<16xf32>,
            %mul3A_256 = arith.constant 16 : i32
            %mul3A_257 = arith.muli %scan3A_250, %mul3A_256 : i32
            %add3A_258 = arith.constant 512 : i32
            %add3A_259 = arith.addi %add3A_258, %mul3A_257 : i32
            %get3A_260 = arith.index_cast %add3A_50 : i32 to index
            %get3A_261 = arith.index_cast %add3A_259 : i32 to index
            %get3A_262 = tpu.vector_load %arg4[%get3A_260, %get3A_261] {strides = array<i32>} : memref<32x1024xf32, #tpu.memory_space<vmem>>, vector<16xf32>,
            %max3A_263 = arith.maximumf %max3A_245, %get3A_255 : vector<16xf32>
            %max3A_264 = arith.maximumf %max3A_246, %get3A_262 : vector<16xf32>
            %min3A_265 = arith.minimumf %min3A_247, %get3A_255 : vector<16xf32>
            %min3A_266 = arith.minimumf %min3A_248, %get3A_262 : vector<16xf32>
            %scan3A_267 = arith.constant 2 : i32
            %scan3A_268 = arith.addi %scan3A_229, %scan3A_267 : i32
            %mul3A_269 = arith.constant 16 : i32
            %mul3A_270 = arith.muli %scan3A_268, %mul3A_269 : i32
            %get3A_271 = arith.index_cast %add3A_50 : i32 to index
            %get3A_272 = arith.index_cast %mul3A_270 : i32 to index
            %get3A_273 = tpu.vector_load %arg4[%get3A_271, %get3A_272] {strides = array<i32>} : memref<32x1024xf32, #tpu.memory_space<vmem>>, vector<16xf32>,
            %mul3A_274 = arith.constant 16 : i32
            %mul3A_275 = arith.muli %scan3A_268, %mul3A_274 : i32
            %add3A_276 = arith.constant 512 : i32
            %add3A_277 = arith.addi %add3A_276, %mul3A_275 : i32
            %get3A_278 = arith.index_cast %add3A_50 : i32 to index
            %get3A_279 = arith.index_cast %add3A_277 : i32 to index
            %get3A_280 = tpu.vector_load %arg4[%get3A_278, %get3A_279] {strides = array<i32>} : memref<32x1024xf32, #tpu.memory_space<vmem>>, vector<16xf32>,
            %max3A_281 = arith.maximumf %max3A_263, %get3A_273 : vector<16xf32>
            %max3A_282 = arith.maximumf %max3A_264, %get3A_280 : vector<16xf32>
            %min3A_283 = arith.minimumf %min3A_265, %get3A_273 : vector<16xf32>
            %min3A_284 = arith.minimumf %min3A_266, %get3A_280 : vector<16xf32>
            %scan3A_285 = arith.constant 3 : i32
            %scan3A_286 = arith.addi %scan3A_229, %scan3A_285 : i32
            %mul3A_287 = arith.constant 16 : i32
            %mul3A_288 = arith.muli %scan3A_286, %mul3A_287 : i32
            %get3A_289 = arith.index_cast %add3A_50 : i32 to index
            %get3A_290 = arith.index_cast %mul3A_288 : i32 to index
            %get3A_291 = tpu.vector_load %arg4[%get3A_289, %get3A_290] {strides = array<i32>} : memref<32x1024xf32, #tpu.memory_space<vmem>>, vector<16xf32>,
            %mul3A_292 = arith.constant 16 : i32
            %mul3A_293 = arith.muli %scan3A_286, %mul3A_292 : i32
            %add3A_294 = arith.constant 512 : i32
            %add3A_295 = arith.addi %add3A_294, %mul3A_293 : i32
            %get3A_296 = arith.index_cast %add3A_50 : i32 to index
            %get3A_297 = arith.index_cast %add3A_295 : i32 to index
            %get3A_298 = tpu.vector_load %arg4[%get3A_296, %get3A_297] {strides = array<i32>} : memref<32x1024xf32, #tpu.memory_space<vmem>>, vector<16xf32>,
            %max3A_299 = arith.maximumf %max3A_281, %get3A_291 : vector<16xf32>
            %max3A_300 = arith.maximumf %max3A_282, %get3A_298 : vector<16xf32>
            %min3A_301 = arith.minimumf %min3A_283, %get3A_291 : vector<16xf32>
            %min3A_302 = arith.minimumf %min3A_284, %get3A_298 : vector<16xf32>
            scf.yield %max3A_299, %max3A_300, %min3A_301, %min3A_302 : vector<16xf32>, vector<16xf32>, vector<16xf32>, vector<16xf32>
          }
          %scan3A_56 = arith.constant 32 : i32
          %sort3A = arith.constant dense<true> : vector<16xi1>
          %sort3A_57, %sort3A_58, %sort3A_59 = tpu.sort %scan3A_55#0, %scan3A_55#0 masked %sort3A : (vector<16xf32>, vector<16xf32>, vector<16xi1>) -> (vector<16xi1>, vector<16xf32>, vector<16xf32>)
          %sort3A_60 = arith.constant dense<true> : vector<16xi1>
          %sort3A_61, %sort3A_62, %sort3A_63 = tpu.sort %scan3A_55#1, %scan3A_55#1 masked %sort3A_60 : (vector<16xf32>, vector<16xf32>, vector<16xi1>) -> (vector<16xi1>, vector<16xf32>, vector<16xf32>)
          %rev3A = arith.constant 15 : i32
          %rev3A_64 = vector.broadcast %rev3A : i32 to vector<16xi32>
          %rev3A_65 = tpu.iota {dimensions = array<i32: 0>} : vector<16xi32>
          %rev3A_66 = arith.subi %rev3A_64, %rev3A_65 : vector<16xi32>
          %rev3A_67 = tpu.dynamic_gather %sort3A_62[%rev3A_66] in [0] : vector<16xf32>, vector<16xi32> -> vector<16xf32>
          %min3A = arith.minimumf %sort3A_58, %rev3A_67 : vector<16xf32>
          %sort3A_68 = arith.constant dense<true> : vector<16xi1>
          %sort3A_69, %sort3A_70, %sort3A_71 = tpu.sort %min3A, %min3A masked %sort3A_68 : (vector<16xf32>, vector<16xf32>, vector<16xi1>) -> (vector<16xi1>, vector<16xf32>, vector<16xf32>)
          %ge3A = arith.constant 12 : i32
          %ge3A_72 = vector.broadcast %ge3A : i32 to vector<16xi32>
          %ge3A_73 = arith.cmpi sge, %iota3A, %ge3A_72 : vector<16xi32>
          %jit3A = arith.constant 0x7F800000 : f32
          %broadcast_in_dim3A_74 = vector.broadcast %jit3A : f32 to vector<16xf32>
          %select_n3A = arith.select %ge3A_73, %sort3A_70, %broadcast_in_dim3A_74 : vector<16xi1>, vector<16xf32>
          %reduce_min3A = arith.constant true
          %reduce_min3A_75 = vector.broadcast %reduce_min3A : i1 to vector<16xi1>
          %reduce_min3A_76 = tpu.scan <min>, %select_n3A masked %reduce_min3A_75 : vector<16xf32>, vector<16xi1> -> vector<16xf32>
          %reduce_min3A_77 = vector.extract %reduce_min3A_76[15] : f32 from vector<16xf32>
          %sort3A_78 = arith.constant dense<true> : vector<16xi1>
          %sort3A_79, %sort3A_80, %sort3A_81 = tpu.sort %scan3A_55#2, %scan3A_55#2 masked %sort3A_78 : (vector<16xf32>, vector<16xf32>, vector<16xi1>) -> (vector<16xi1>, vector<16xf32>, vector<16xf32>)
          %sort3A_82 = arith.constant dense<true> : vector<16xi1>
          %sort3A_83, %sort3A_84, %sort3A_85 = tpu.sort %scan3A_55#3, %scan3A_55#3 masked %sort3A_82 : (vector<16xf32>, vector<16xf32>, vector<16xi1>) -> (vector<16xi1>, vector<16xf32>, vector<16xf32>)
          %rev3A_86 = arith.constant 15 : i32
          %rev3A_87 = vector.broadcast %rev3A_86 : i32 to vector<16xi32>
          %rev3A_88 = tpu.iota {dimensions = array<i32: 0>} : vector<16xi32>
          %rev3A_89 = arith.subi %rev3A_87, %rev3A_88 : vector<16xi32>
          %rev3A_90 = tpu.dynamic_gather %sort3A_84[%rev3A_89] in [0] : vector<16xf32>, vector<16xi32> -> vector<16xf32>
          %max3A = arith.maximumf %sort3A_80, %rev3A_90 : vector<16xf32>
          %sort3A_91 = arith.constant dense<true> : vector<16xi1>
          %sort3A_92, %sort3A_93, %sort3A_94 = tpu.sort %max3A, %max3A masked %sort3A_91 : (vector<16xf32>, vector<16xf32>, vector<16xi1>) -> (vector<16xi1>, vector<16xf32>, vector<16xf32>)
          %le3A = arith.constant 3 : i32
          %le3A_95 = vector.broadcast %le3A : i32 to vector<16xi32>
          %le3A_96 = arith.cmpi sle, %iota3A, %le3A_95 : vector<16xi32>
          %jit3A_97 = arith.constant 0xFF800000 : f32
          %broadcast_in_dim3A_98 = vector.broadcast %jit3A_97 : f32 to vector<16xf32>
          %select_n3A_99 = arith.select %le3A_96, %sort3A_93, %broadcast_in_dim3A_98 : vector<16xi1>, vector<16xf32>
          %reduce_max3A = arith.constant true
          %reduce_max3A_100 = vector.broadcast %reduce_max3A : i1 to vector<16xi1>
          %reduce_max3A_101 = tpu.scan <max>, %select_n3A_99 masked %reduce_max3A_100 : vector<16xf32>, vector<16xi1> -> vector<16xf32>
          %reduce_max3A_102 = vector.extract %reduce_max3A_101[15] : f32 from vector<16xf32>
          %scan3A_103 = arith.constant 0 : i32
          %scan3A_104 = arith.constant 64 : i32
          %scan3A_105 = arith.addi %scan3A_103, %scan3A_104 : i32
          %scan3A_106 = arith.constant 4 : i32
          %scan3A_107:2 = scf.for %scan3A_229 = %scan3A_103 to %scan3A_105 step %scan3A_106 iter_args(%scan3A_230 = %broadcast_in_dim3A_5, %scan3A_231 = %broadcast_in_dim3A_5) -> (vector<16xi32>, vector<16xi32>)  : i32 {
            %mul3A_232 = arith.constant 16 : i32
            %mul3A_233 = arith.muli %scan3A_229, %mul3A_232 : i32
            %get3A = arith.index_cast %add3A_50 : i32 to index
            %get3A_234 = arith.index_cast %mul3A_233 : i32 to index
            %get3A_235 = tpu.vector_load %arg4[%get3A, %get3A_234] {strides = array<i32>} : memref<32x1024xf32, #tpu.memory_space<vmem>>, vector<16xf32>,
            %ge3A_236 = vector.broadcast %reduce_min3A_77 : f32 to vector<16xf32>
            %ge3A_237 = arith.cmpf oge, %get3A_235, %ge3A_236 : vector<16xf32>
            %le3A_238 = vector.broadcast %reduce_max3A_102 : f32 to vector<16xf32>
            %le3A_239 = arith.cmpf ole, %get3A_235, %le3A_238 : vector<16xf32>
            %convert_element_type3A = arith.extui %ge3A_237 : vector<16xi1> to vector<16xi32>
            %cumsum3A = arith.constant true
            %cumsum3A_240 = vector.broadcast %cumsum3A : i1 to vector<16xi1>
            %cumsum3A_241 = tpu.scan <sum>, %convert_element_type3A masked %cumsum3A_240 : vector<16xi32>, vector<16xi1> -> vector<16xi32>
            %convert_element_type3A_242 = arith.extui %le3A_239 : vector<16xi1> to vector<16xi32>
            %cumsum3A_243 = arith.constant true
            %cumsum3A_244 = vector.broadcast %cumsum3A_243 : i1 to vector<16xi1>
            %cumsum3A_245 = tpu.scan <sum>, %convert_element_type3A_242 masked %cumsum3A_244 : vector<16xi32>, vector<16xi1> -> vector<16xi32>
            %add3A_246 = arith.addi %scan3A_230, %cumsum3A_241 : vector<16xi32>
            %sub3A_247 = arith.constant 1 : i32
            %sub3A_248 = vector.broadcast %sub3A_247 : i32 to vector<16xi32>
            %sub3A_249 = arith.subi %add3A_246, %sub3A_248 : vector<16xi32>
            tpu.vector_store_idx %arg5[%sub3A_249], %get3A_235 masked %ge3A_237 : memref<1040xf32, #tpu.memory_space<vmem>>[vector<16xi32>], vector<16xf32>, vector<16xi1>
            %add3A_250 = arith.addi %scan3A_231, %cumsum3A_245 : vector<16xi32>
            %sub3A_251 = arith.constant 1 : i32
            %sub3A_252 = vector.broadcast %sub3A_251 : i32 to vector<16xi32>
            %sub3A_253 = arith.subi %add3A_250, %sub3A_252 : vector<16xi32>
            tpu.vector_store_idx %arg6[%sub3A_253], %get3A_235 masked %le3A_239 : memref<1040xf32, #tpu.memory_space<vmem>>[vector<16xi32>], vector<16xf32>, vector<16xi1>
            %all_reduce_population_count3A = tpu.all_reduce %ge3A_237 {dim = 0 : i64, kind = #tpu.reduction_kind<sum>} : vector<16xi1> -> vector<16xi32>
            %all_reduce_population_count3A_254 = tpu.all_reduce %le3A_239 {dim = 0 : i64, kind = #tpu.reduction_kind<sum>} : vector<16xi1> -> vector<16xi32>
            %add3A_255 = arith.addi %scan3A_230, %all_reduce_population_count3A : vector<16xi32>
            %add3A_256 = arith.addi %scan3A_231, %all_reduce_population_count3A_254 : vector<16xi32>
            %scan3A_257 = arith.constant 1 : i32
            %scan3A_258 = arith.addi %scan3A_229, %scan3A_257 : i32
            %mul3A_259 = arith.constant 16 : i32
            %mul3A_260 = arith.muli %scan3A_258, %mul3A_259 : i32
            %get3A_261 = arith.index_cast %add3A_50 : i32 to index
            %get3A_262 = arith.index_cast %mul3A_260 : i32 to index
            %get3A_263 = tpu.vector_load %arg4[%get3A_261, %get3A_262] {strides = array<i32>} : memref<32x1024xf32, #tpu.memory_space<vmem>>, vector<16xf32>,
            %ge3A_264 = vector.broadcast %reduce_min3A_77 : f32 to vector<16xf32>
            %ge3A_265 = arith.cmpf oge, %get3A_263, %ge3A_264 : vector<16xf32>
            %le3A_266 = vector.broadcast %reduce_max3A_102 : f32 to vector<16xf32>
            %le3A_267 = arith.cmpf ole, %get3A_263, %le3A_266 : vector<16xf32>
            %convert_element_type3A_268 = arith.extui %ge3A_265 : vector<16xi1> to vector<16xi32>
            %cumsum3A_269 = arith.constant true
            %cumsum3A_270 = vector.broadcast %cumsum3A_269 : i1 to vector<16xi1>
            %cumsum3A_271 = tpu.scan <sum>, %convert_element_type3A_268 masked %cumsum3A_270 : vector<16xi32>, vector<16xi1> -> vector<16xi32>
            %convert_element_type3A_272 = arith.extui %le3A_267 : vector<16xi1> to vector<16xi32>
            %cumsum3A_273 = arith.constant true
            %cumsum3A_274 = vector.broadcast %cumsum3A_273 : i1 to vector<16xi1>
            %cumsum3A_275 = tpu.scan <sum>, %convert_element_type3A_272 masked %cumsum3A_274 : vector<16xi32>, vector<16xi1> -> vector<16xi32>
            %add3A_276 = arith.addi %add3A_255, %cumsum3A_271 : vector<16xi32>
            %sub3A_277 = arith.constant 1 : i32
            %sub3A_278 = vector.broadcast %sub3A_277 : i32 to vector<16xi32>
            %sub3A_279 = arith.subi %add3A_276, %sub3A_278 : vector<16xi32>
            tpu.vector_store_idx %arg5[%sub3A_279], %get3A_263 masked %ge3A_265 : memref<1040xf32, #tpu.memory_space<vmem>>[vector<16xi32>], vector<16xf32>, vector<16xi1>
            %add3A_280 = arith.addi %add3A_256, %cumsum3A_275 : vector<16xi32>
            %sub3A_281 = arith.constant 1 : i32
            %sub3A_282 = vector.broadcast %sub3A_281 : i32 to vector<16xi32>
            %sub3A_283 = arith.subi %add3A_280, %sub3A_282 : vector<16xi32>
            tpu.vector_store_idx %arg6[%sub3A_283], %get3A_263 masked %le3A_267 : memref<1040xf32, #tpu.memory_space<vmem>>[vector<16xi32>], vector<16xf32>, vector<16xi1>
            %all_reduce_population_count3A_284 = tpu.all_reduce %ge3A_265 {dim = 0 : i64, kind = #tpu.reduction_kind<sum>} : vector<16xi1> -> vector<16xi32>
            %all_reduce_population_count3A_285 = tpu.all_reduce %le3A_267 {dim = 0 : i64, kind = #tpu.reduction_kind<sum>} : vector<16xi1> -> vector<16xi32>
            %add3A_286 = arith.addi %add3A_255, %all_reduce_population_count3A_284 : vector<16xi32>
            %add3A_287 = arith.addi %add3A_256, %all_reduce_population_count3A_285 : vector<16xi32>
            %scan3A_288 = arith.constant 2 : i32
            %scan3A_289 = arith.addi %scan3A_229, %scan3A_288 : i32
            %mul3A_290 = arith.constant 16 : i32
            %mul3A_291 = arith.muli %scan3A_289, %mul3A_290 : i32
            %get3A_292 = arith.index_cast %add3A_50 : i32 to index
            %get3A_293 = arith.index_cast %mul3A_291 : i32 to index
            %get3A_294 = tpu.vector_load %arg4[%get3A_292, %get3A_293] {strides = array<i32>} : memref<32x1024xf32, #tpu.memory_space<vmem>>, vector<16xf32>,
            %ge3A_295 = vector.broadcast %reduce_min3A_77 : f32 to vector<16xf32>
            %ge3A_296 = arith.cmpf oge, %get3A_294, %ge3A_295 : vector<16xf32>
            %le3A_297 = vector.broadcast %reduce_max3A_102 : f32 to vector<16xf32>
            %le3A_298 = arith.cmpf ole, %get3A_294, %le3A_297 : vector<16xf32>
            %convert_element_type3A_299 = arith.extui %ge3A_296 : vector<16xi1> to vector<16xi32>
            %cumsum3A_300 = arith.constant true
            %cumsum3A_301 = vector.broadcast %cumsum3A_300 : i1 to vector<16xi1>
            %cumsum3A_302 = tpu.scan <sum>, %convert_element_type3A_299 masked %cumsum3A_301 : vector<16xi32>, vector<16xi1> -> vector<16xi32>
            %convert_element_type3A_303 = arith.extui %le3A_298 : vector<16xi1> to vector<16xi32>
            %cumsum3A_304 = arith.constant true
            %cumsum3A_305 = vector.broadcast %cumsum3A_304 : i1 to vector<16xi1>
            %cumsum3A_306 = tpu.scan <sum>, %convert_element_type3A_303 masked %cumsum3A_305 : vector<16xi32>, vector<16xi1> -> vector<16xi32>
            %add3A_307 = arith.addi %add3A_286, %cumsum3A_302 : vector<16xi32>
            %sub3A_308 = arith.constant 1 : i32
            %sub3A_309 = vector.broadcast %sub3A_308 : i32 to vector<16xi32>
            %sub3A_310 = arith.subi %add3A_307, %sub3A_309 : vector<16xi32>
            tpu.vector_store_idx %arg5[%sub3A_310], %get3A_294 masked %ge3A_296 : memref<1040xf32, #tpu.memory_space<vmem>>[vector<16xi32>], vector<16xf32>, vector<16xi1>
            %add3A_311 = arith.addi %add3A_287, %cumsum3A_306 : vector<16xi32>
            %sub3A_312 = arith.constant 1 : i32
            %sub3A_313 = vector.broadcast %sub3A_312 : i32 to vector<16xi32>
            %sub3A_314 = arith.subi %add3A_311, %sub3A_313 : vector<16xi32>
            tpu.vector_store_idx %arg6[%sub3A_314], %get3A_294 masked %le3A_298 : memref<1040xf32, #tpu.memory_space<vmem>>[vector<16xi32>], vector<16xf32>, vector<16xi1>
            %all_reduce_population_count3A_315 = tpu.all_reduce %ge3A_296 {dim = 0 : i64, kind = #tpu.reduction_kind<sum>} : vector<16xi1> -> vector<16xi32>
            %all_reduce_population_count3A_316 = tpu.all_reduce %le3A_298 {dim = 0 : i64, kind = #tpu.reduction_kind<sum>} : vector<16xi1> -> vector<16xi32>
            %add3A_317 = arith.addi %add3A_286, %all_reduce_population_count3A_315 : vector<16xi32>
            %add3A_318 = arith.addi %add3A_287, %all_reduce_population_count3A_316 : vector<16xi32>
            %scan3A_319 = arith.constant 3 : i32
            %scan3A_320 = arith.addi %scan3A_229, %scan3A_319 : i32
            %mul3A_321 = arith.constant 16 : i32
            %mul3A_322 = arith.muli %scan3A_320, %mul3A_321 : i32
            %get3A_323 = arith.index_cast %add3A_50 : i32 to index
            %get3A_324 = arith.index_cast %mul3A_322 : i32 to index
            %get3A_325 = tpu.vector_load %arg4[%get3A_323, %get3A_324] {strides = array<i32>} : memref<32x1024xf32, #tpu.memory_space<vmem>>, vector<16xf32>,
            %ge3A_326 = vector.broadcast %reduce_min3A_77 : f32 to vector<16xf32>
            %ge3A_327 = arith.cmpf oge, %get3A_325, %ge3A_326 : vector<16xf32>
            %le3A_328 = vector.broadcast %reduce_max3A_102 : f32 to vector<16xf32>
            %le3A_329 = arith.cmpf ole, %get3A_325, %le3A_328 : vector<16xf32>
            %convert_element_type3A_330 = arith.extui %ge3A_327 : vector<16xi1> to vector<16xi32>
            %cumsum3A_331 = arith.constant true
            %cumsum3A_332 = vector.broadcast %cumsum3A_331 : i1 to vector<16xi1>
            %cumsum3A_333 = tpu.scan <sum>, %convert_element_type3A_330 masked %cumsum3A_332 : vector<16xi32>, vector<16xi1> -> vector<16xi32>
            %convert_element_type3A_334 = arith.extui %le3A_329 : vector<16xi1> to vector<16xi32>
            %cumsum3A_335 = arith.constant true
            %cumsum3A_336 = vector.broadcast %cumsum3A_335 : i1 to vector<16xi1>
            %cumsum3A_337 = tpu.scan <sum>, %convert_element_type3A_334 masked %cumsum3A_336 : vector<16xi32>, vector<16xi1> -> vector<16xi32>
            %add3A_338 = arith.addi %add3A_317, %cumsum3A_333 : vector<16xi32>
            %sub3A_339 = arith.constant 1 : i32
            %sub3A_340 = vector.broadcast %sub3A_339 : i32 to vector<16xi32>
            %sub3A_341 = arith.subi %add3A_338, %sub3A_340 : vector<16xi32>
            tpu.vector_store_idx %arg5[%sub3A_341], %get3A_325 masked %ge3A_327 : memref<1040xf32, #tpu.memory_space<vmem>>[vector<16xi32>], vector<16xf32>, vector<16xi1>
            %add3A_342 = arith.addi %add3A_318, %cumsum3A_337 : vector<16xi32>
            %sub3A_343 = arith.constant 1 : i32
            %sub3A_344 = vector.broadcast %sub3A_343 : i32 to vector<16xi32>
            %sub3A_345 = arith.subi %add3A_342, %sub3A_344 : vector<16xi32>
            tpu.vector_store_idx %arg6[%sub3A_345], %get3A_325 masked %le3A_329 : memref<1040xf32, #tpu.memory_space<vmem>>[vector<16xi32>], vector<16xf32>, vector<16xi1>
            %all_reduce_population_count3A_346 = tpu.all_reduce %ge3A_327 {dim = 0 : i64, kind = #tpu.reduction_kind<sum>} : vector<16xi1> -> vector<16xi32>
            %all_reduce_population_count3A_347 = tpu.all_reduce %le3A_329 {dim = 0 : i64, kind = #tpu.reduction_kind<sum>} : vector<16xi1> -> vector<16xi32>
            %add3A_348 = arith.addi %add3A_317, %all_reduce_population_count3A_346 : vector<16xi32>
            %add3A_349 = arith.addi %add3A_318, %all_reduce_population_count3A_347 : vector<16xi32>
            scf.yield %add3A_348, %add3A_349 : vector<16xi32>, vector<16xi32>
          }
          %scan3A_108 = arith.constant 64 : i32
          %add3A_109 = arith.addi %scan3A_107#0, %iota3A : vector<16xi32>
          tpu.vector_store_idx %arg5[%add3A_109], %broadcast_in_dim3A_1 : memref<1040xf32, #tpu.memory_space<vmem>>[vector<16xi32>], vector<16xf32>,
          %add3A_110 = arith.addi %scan3A_107#1, %iota3A : vector<16xi32>
          tpu.vector_store_idx %arg6[%add3A_110], %broadcast_in_dim3A_3 : memref<1040xf32, #tpu.memory_space<vmem>>[vector<16xi32>], vector<16xf32>,
          %reduce_max3A_111 = arith.constant true
          %reduce_max3A_112 = vector.broadcast %reduce_max3A_111 : i1 to vector<16xi1>
          %reduce_max3A_113 = arith.constant -2147483648 : i32
          %reduce_max3A_114 = vector.broadcast %reduce_max3A_113 : i32 to vector<16xi32>
          %reduce_max3A_115 = arith.xori %scan3A_107#0, %reduce_max3A_114 : vector<16xi32>
          %reduce_max3A_116 = tpu.scan <max>, %reduce_max3A_115 masked %reduce_max3A_112 : vector<16xi32>, vector<16xi1> -> vector<16xi32>
          %reduce_max3A_117 = arith.xori %reduce_max3A_116, %reduce_max3A_114 : vector<16xi32>
          %reduce_max3A_118 = vector.extract %reduce_max3A_117[15] : i32 from vector<16xi32>
          %add3A_119 = arith.constant 15 : i32
          %add3A_120 = arith.addi %reduce_max3A_118, %add3A_119 : i32
          %jit3A_121 = arith.constant 16 : i32
          %div3A = arith.divsi %add3A_120, %jit3A_121 : i32
          %sign3A = arith.constant 0 : i32
          %sign3A_122 = arith.cmpi sgt, %add3A_120, %sign3A : i32
          %sign3A_123 = arith.extui %sign3A_122 : i1 to i32
          %sign3A_124 = arith.constant 0 : i32
          %sign3A_125 = arith.cmpi slt, %add3A_120, %sign3A_124 : i32
          %sign3A_126 = arith.extui %sign3A_125 : i1 to i32
          %sign3A_127 = arith.subi %sign3A_123, %sign3A_126 : i32
          %sign3A_128 = arith.constant 0 : i32
          %sign3A_129 = arith.cmpi sgt, %jit3A_121, %sign3A_128 : i32
          %sign3A_130 = arith.extui %sign3A_129 : i1 to i32
          %sign3A_131 = arith.constant 0 : i32
          %sign3A_132 = arith.cmpi slt, %jit3A_121, %sign3A_131 : i32
          %sign3A_133 = arith.extui %sign3A_132 : i1 to i32
          %sign3A_134 = arith.subi %sign3A_130, %sign3A_133 : i32
          %ne3A = arith.cmpi ne, %sign3A_127, %sign3A_134 : i32
          %rem3A = arith.remsi %add3A_120, %jit3A_121 : i32
          %ne3A_135 = arith.constant 0 : i32
          %ne3A_136 = arith.cmpi ne, %rem3A, %ne3A_135 : i32
          %and3A = arith.andi %ne3A, %ne3A_136 : i1
          %sub3A = arith.constant 1 : i32
          %sub3A_137 = arith.subi %div3A, %sub3A : i32
          %select_n3A_138 = arith.select %and3A, %sub3A_137, %div3A : i32
          %reduce_max3A_139 = arith.constant true
          %reduce_max3A_140 = vector.broadcast %reduce_max3A_139 : i1 to vector<16xi1>
          %reduce_max3A_141 = arith.constant -2147483648 : i32
          %reduce_max3A_142 = vector.broadcast %reduce_max3A_141 : i32 to vector<16xi32>
          %reduce_max3A_143 = arith.xori %scan3A_107#1, %reduce_max3A_142 : vector<16xi32>
          %reduce_max3A_144 = tpu.scan <max>, %reduce_max3A_143 masked %reduce_max3A_140 : vector<16xi32>, vector<16xi1> -> vector<16xi32>
          %reduce_max3A_145 = arith.xori %reduce_max3A_144, %reduce_max3A_142 : vector<16xi32>
          %reduce_max3A_146 = vector.extract %reduce_max3A_145[15] : i32 from vector<16xi32>
          %add3A_147 = arith.constant 15 : i32
          %add3A_148 = arith.addi %reduce_max3A_146, %add3A_147 : i32
          %jit3A_149 = arith.constant 16 : i32
          %div3A_150 = arith.divsi %add3A_148, %jit3A_149 : i32
          %sign3A_151 = arith.constant 0 : i32
          %sign3A_152 = arith.cmpi sgt, %add3A_148, %sign3A_151 : i32
          %sign3A_153 = arith.extui %sign3A_152 : i1 to i32
          %sign3A_154 = arith.constant 0 : i32
          %sign3A_155 = arith.cmpi slt, %add3A_148, %sign3A_154 : i32
          %sign3A_156 = arith.extui %sign3A_155 : i1 to i32
          %sign3A_157 = arith.subi %sign3A_153, %sign3A_156 : i32
          %sign3A_158 = arith.constant 0 : i32
          %sign3A_159 = arith.cmpi sgt, %jit3A_149, %sign3A_158 : i32
          %sign3A_160 = arith.extui %sign3A_159 : i1 to i32
          %sign3A_161 = arith.constant 0 : i32
          %sign3A_162 = arith.cmpi slt, %jit3A_149, %sign3A_161 : i32
          %sign3A_163 = arith.extui %sign3A_162 : i1 to i32
          %sign3A_164 = arith.subi %sign3A_160, %sign3A_163 : i32
          %ne3A_165 = arith.cmpi ne, %sign3A_157, %sign3A_164 : i32
          %rem3A_166 = arith.remsi %add3A_148, %jit3A_149 : i32
          %ne3A_167 = arith.constant 0 : i32
          %ne3A_168 = arith.cmpi ne, %rem3A_166, %ne3A_167 : i32
          %and3A_169 = arith.andi %ne3A_165, %ne3A_168 : i1
          %sub3A_170 = arith.constant 1 : i32
          %sub3A_171 = arith.subi %div3A_150, %sub3A_170 : i32
          %select_n3A_172 = arith.select %and3A_169, %sub3A_171, %div3A_150 : i32
          %while3A = arith.constant 0 : i32
          %while3A_173 = arith.subi %select_n3A_138, %while3A : i32
          %while3A_174 = arith.addi %while3A, %while3A_173 : i32
          %while3A_175 = arith.constant 1 : i32
          %while3A_176 = arith.divsi %while3A_173, %while3A_175 : i32
          %while3A_177 = arith.muli %while3A_176, %while3A_175 : i32
          %while3A_178 = arith.addi %while3A, %while3A_177 : i32
          %while3A_179 = arith.constant 1 : i32
          %while3A_180:2 = scf.for %while3A_229 = %while3A to %while3A_178 step %while3A_179 iter_args(%while3A_230 = %broadcast_in_dim3A_1, %while3A_231 = %broadcast_in_dim3A_1) -> (vector<16xf32>, vector<16xf32>)  : i32 {
            %mul3A_232 = arith.constant 16 : i32
            %mul3A_233 = arith.muli %while3A_229, %mul3A_232 : i32
            %get3A = arith.index_cast %mul3A_233 : i32 to index
            %get3A_234 = tpu.vector_load %arg5[%get3A] {strides = array<i32>} : memref<1040xf32, #tpu.memory_space<vmem>>, vector<16xf32>,
            %sort3A_235 = arith.constant dense<true> : vector<16xi1>
            %sort3A_236, %sort3A_237, %sort3A_238 = tpu.sort %get3A_234, %get3A_234 masked %sort3A_235 : (vector<16xf32>, vector<16xf32>, vector<16xi1>) -> (vector<16xi1>, vector<16xf32>, vector<16xf32>)
            %rev3A_239 = arith.constant 15 : i32
            %rev3A_240 = vector.broadcast %rev3A_239 : i32 to vector<16xi32>
            %rev3A_241 = tpu.iota {dimensions = array<i32: 0>} : vector<16xi32>
            %rev3A_242 = arith.subi %rev3A_240, %rev3A_241 : vector<16xi32>
            %rev3A_243 = tpu.dynamic_gather %sort3A_237[%rev3A_242] in [0] : vector<16xf32>, vector<16xi32> -> vector<16xf32>
            %max3A_244 = arith.maximumf %while3A_230, %rev3A_243 : vector<16xf32>
            %sort3A_245 = arith.constant dense<true> : vector<16xi1>
            %sort3A_246, %sort3A_247, %sort3A_248 = tpu.sort %max3A_244, %max3A_244 masked %sort3A_245 : (vector<16xf32>, vector<16xf32>, vector<16xi1>) -> (vector<16xi1>, vector<16xf32>, vector<16xf32>)
            %rev3A_249 = arith.constant 15 : i32
            %rev3A_250 = vector.broadcast %rev3A_249 : i32 to vector<16xi32>
            %rev3A_251 = tpu.iota {dimensions = array<i32: 0>} : vector<16xi32>
            %rev3A_252 = arith.subi %rev3A_250, %rev3A_251 : vector<16xi32>
            %rev3A_253 = tpu.dynamic_gather %sort3A_247[%rev3A_252] in [0] : vector<16xf32>, vector<16xi32> -> vector<16xf32>
            %max3A_254 = arith.maximumf %while3A_231, %rev3A_253 : vector<16xf32>
            %sort3A_255 = arith.constant dense<true> : vector<16xi1>
            %sort3A_256, %sort3A_257, %sort3A_258 = tpu.sort %max3A_254, %max3A_254 masked %sort3A_255 : (vector<16xf32>, vector<16xf32>, vector<16xi1>) -> (vector<16xi1>, vector<16xf32>, vector<16xf32>)
            %rev3A_259 = arith.constant 15 : i32
            %rev3A_260 = vector.broadcast %rev3A_259 : i32 to vector<16xi32>
            %rev3A_261 = tpu.iota {dimensions = array<i32: 0>} : vector<16xi32>
            %rev3A_262 = arith.subi %rev3A_260, %rev3A_261 : vector<16xi32>
            %rev3A_263 = tpu.dynamic_gather %sort3A_247[%rev3A_262] in [0] : vector<16xf32>, vector<16xi32> -> vector<16xf32>
            %min3A_264 = arith.minimumf %while3A_231, %rev3A_263 : vector<16xf32>
            %sort3A_265 = arith.constant dense<true> : vector<16xi1>
            %sort3A_266, %sort3A_267, %sort3A_268 = tpu.sort %min3A_264, %min3A_264 masked %sort3A_265 : (vector<16xf32>, vector<16xf32>, vector<16xi1>) -> (vector<16xi1>, vector<16xf32>, vector<16xf32>)
            scf.yield %sort3A_267, %sort3A_257 : vector<16xf32>, vector<16xf32>
          }
          %while3A_181 = arith.constant 1 : i32
          %while3A_182:2 = scf.for %while3A_229 = %while3A_178 to %while3A_174 step %while3A_181 iter_args(%while3A_230 = %while3A_180#0, %while3A_231 = %while3A_180#1) -> (vector<16xf32>, vector<16xf32>)  : i32 {
            %mul3A_232 = arith.constant 16 : i32
            %mul3A_233 = arith.muli %while3A_229, %mul3A_232 : i32
            %get3A = arith.index_cast %mul3A_233 : i32 to index
            %get3A_234 = tpu.vector_load %arg5[%get3A] {strides = array<i32>} : memref<1040xf32, #tpu.memory_space<vmem>>, vector<16xf32>,
            %sort3A_235 = arith.constant dense<true> : vector<16xi1>
            %sort3A_236, %sort3A_237, %sort3A_238 = tpu.sort %get3A_234, %get3A_234 masked %sort3A_235 : (vector<16xf32>, vector<16xf32>, vector<16xi1>) -> (vector<16xi1>, vector<16xf32>, vector<16xf32>)
            %rev3A_239 = arith.constant 15 : i32
            %rev3A_240 = vector.broadcast %rev3A_239 : i32 to vector<16xi32>
            %rev3A_241 = tpu.iota {dimensions = array<i32: 0>} : vector<16xi32>
            %rev3A_242 = arith.subi %rev3A_240, %rev3A_241 : vector<16xi32>
            %rev3A_243 = tpu.dynamic_gather %sort3A_237[%rev3A_242] in [0] : vector<16xf32>, vector<16xi32> -> vector<16xf32>
            %max3A_244 = arith.maximumf %while3A_230, %rev3A_243 : vector<16xf32>
            %sort3A_245 = arith.constant dense<true> : vector<16xi1>
            %sort3A_246, %sort3A_247, %sort3A_248 = tpu.sort %max3A_244, %max3A_244 masked %sort3A_245 : (vector<16xf32>, vector<16xf32>, vector<16xi1>) -> (vector<16xi1>, vector<16xf32>, vector<16xf32>)
            %rev3A_249 = arith.constant 15 : i32
            %rev3A_250 = vector.broadcast %rev3A_249 : i32 to vector<16xi32>
            %rev3A_251 = tpu.iota {dimensions = array<i32: 0>} : vector<16xi32>
            %rev3A_252 = arith.subi %rev3A_250, %rev3A_251 : vector<16xi32>
            %rev3A_253 = tpu.dynamic_gather %sort3A_247[%rev3A_252] in [0] : vector<16xf32>, vector<16xi32> -> vector<16xf32>
            %max3A_254 = arith.maximumf %while3A_231, %rev3A_253 : vector<16xf32>
            %sort3A_255 = arith.constant dense<true> : vector<16xi1>
            %sort3A_256, %sort3A_257, %sort3A_258 = tpu.sort %max3A_254, %max3A_254 masked %sort3A_255 : (vector<16xf32>, vector<16xf32>, vector<16xi1>) -> (vector<16xi1>, vector<16xf32>, vector<16xf32>)
            %rev3A_259 = arith.constant 15 : i32
            %rev3A_260 = vector.broadcast %rev3A_259 : i32 to vector<16xi32>
            %rev3A_261 = tpu.iota {dimensions = array<i32: 0>} : vector<16xi32>
            %rev3A_262 = arith.subi %rev3A_260, %rev3A_261 : vector<16xi32>
            %rev3A_263 = tpu.dynamic_gather %sort3A_247[%rev3A_262] in [0] : vector<16xf32>, vector<16xi32> -> vector<16xf32>
            %min3A_264 = arith.minimumf %while3A_231, %rev3A_263 : vector<16xf32>
            %sort3A_265 = arith.constant dense<true> : vector<16xi1>
            %sort3A_266, %sort3A_267, %sort3A_268 = tpu.sort %min3A_264, %min3A_264 masked %sort3A_265 : (vector<16xf32>, vector<16xf32>, vector<16xi1>) -> (vector<16xi1>, vector<16xf32>, vector<16xf32>)
            scf.yield %sort3A_267, %sort3A_257 : vector<16xf32>, vector<16xf32>
          }
          %reduce_sum3A = arith.constant true
          %reduce_sum3A_183 = vector.broadcast %reduce_sum3A : i1 to vector<16xi1>
          %reduce_sum3A_184 = tpu.scan <sum>, %while3A_182#1 masked %reduce_sum3A_183 : vector<16xf32>, vector<16xi1> -> vector<16xf32>
          %reduce_sum3A_185 = vector.extract %reduce_sum3A_184[15] : f32 from vector<16xf32>
          %ge3A_186 = arith.constant 12 : i32
          %ge3A_187 = vector.broadcast %ge3A_186 : i32 to vector<16xi32>
          %ge3A_188 = arith.cmpi sge, %iota3A, %ge3A_187 : vector<16xi32>
          %jit3A_189 = arith.constant 0.000000e+00 : f32
          %broadcast_in_dim3A_190 = vector.broadcast %jit3A_189 : f32 to vector<16xf32>
          %select_n3A_191 = arith.select %ge3A_188, %while3A_182#0, %broadcast_in_dim3A_190 : vector<16xi1>, vector<16xf32>
          %reduce_sum3A_192 = arith.constant true
          %reduce_sum3A_193 = vector.broadcast %reduce_sum3A_192 : i1 to vector<16xi1>
          %reduce_sum3A_194 = tpu.scan <sum>, %select_n3A_191 masked %reduce_sum3A_193 : vector<16xf32>, vector<16xi1> -> vector<16xf32>
          %reduce_sum3A_195 = vector.extract %reduce_sum3A_194[15] : f32 from vector<16xf32>
          %add3A_196 = arith.addf %reduce_sum3A_185, %reduce_sum3A_195 : f32
          %while3A_197 = arith.constant 0 : i32
          %while3A_198 = arith.subi %select_n3A_172, %while3A_197 : i32
          %while3A_199 = arith.addi %while3A_197, %while3A_198 : i32
          %while3A_200 = arith.constant 1 : i32
          %while3A_201 = arith.divsi %while3A_198, %while3A_200 : i32
          %while3A_202 = arith.muli %while3A_201, %while3A_200 : i32
          %while3A_203 = arith.addi %while3A_197, %while3A_202 : i32
          %while3A_204 = arith.constant 1 : i32
          %while3A_205:2 = scf.for %while3A_229 = %while3A_197 to %while3A_203 step %while3A_204 iter_args(%while3A_230 = %broadcast_in_dim3A_3, %while3A_231 = %broadcast_in_dim3A_3) -> (vector<16xf32>, vector<16xf32>)  : i32 {
            %mul3A_232 = arith.constant 16 : i32
            %mul3A_233 = arith.muli %while3A_229, %mul3A_232 : i32
            %get3A = arith.index_cast %mul3A_233 : i32 to index
            %get3A_234 = tpu.vector_load %arg6[%get3A] {strides = array<i32>} : memref<1040xf32, #tpu.memory_space<vmem>>, vector<16xf32>,
            %sort3A_235 = arith.constant dense<true> : vector<16xi1>
            %sort3A_236, %sort3A_237, %sort3A_238 = tpu.sort %get3A_234, %get3A_234 masked %sort3A_235 : (vector<16xf32>, vector<16xf32>, vector<16xi1>) -> (vector<16xi1>, vector<16xf32>, vector<16xf32>)
            %rev3A_239 = arith.constant 15 : i32
            %rev3A_240 = vector.broadcast %rev3A_239 : i32 to vector<16xi32>
            %rev3A_241 = tpu.iota {dimensions = array<i32: 0>} : vector<16xi32>
            %rev3A_242 = arith.subi %rev3A_240, %rev3A_241 : vector<16xi32>
            %rev3A_243 = tpu.dynamic_gather %sort3A_237[%rev3A_242] in [0] : vector<16xf32>, vector<16xi32> -> vector<16xf32>
            %min3A_244 = arith.minimumf %while3A_231, %rev3A_243 : vector<16xf32>
            %sort3A_245 = arith.constant dense<true> : vector<16xi1>
            %sort3A_246, %sort3A_247, %sort3A_248 = tpu.sort %min3A_244, %min3A_244 masked %sort3A_245 : (vector<16xf32>, vector<16xf32>, vector<16xi1>) -> (vector<16xi1>, vector<16xf32>, vector<16xf32>)
            %rev3A_249 = arith.constant 15 : i32
            %rev3A_250 = vector.broadcast %rev3A_249 : i32 to vector<16xi32>
            %rev3A_251 = tpu.iota {dimensions = array<i32: 0>} : vector<16xi32>
            %rev3A_252 = arith.subi %rev3A_250, %rev3A_251 : vector<16xi32>
            %rev3A_253 = tpu.dynamic_gather %sort3A_247[%rev3A_252] in [0] : vector<16xf32>, vector<16xi32> -> vector<16xf32>
            %min3A_254 = arith.minimumf %while3A_230, %rev3A_253 : vector<16xf32>
            %sort3A_255 = arith.constant dense<true> : vector<16xi1>
            %sort3A_256, %sort3A_257, %sort3A_258 = tpu.sort %min3A_254, %min3A_254 masked %sort3A_255 : (vector<16xf32>, vector<16xf32>, vector<16xi1>) -> (vector<16xi1>, vector<16xf32>, vector<16xf32>)
            %rev3A_259 = arith.constant 15 : i32
            %rev3A_260 = vector.broadcast %rev3A_259 : i32 to vector<16xi32>
            %rev3A_261 = tpu.iota {dimensions = array<i32: 0>} : vector<16xi32>
            %rev3A_262 = arith.subi %rev3A_260, %rev3A_261 : vector<16xi32>
            %rev3A_263 = tpu.dynamic_gather %sort3A_247[%rev3A_262] in [0] : vector<16xf32>, vector<16xi32> -> vector<16xf32>
            %max3A_264 = arith.maximumf %while3A_230, %rev3A_263 : vector<16xf32>
            %sort3A_265 = arith.constant dense<true> : vector<16xi1>
            %sort3A_266, %sort3A_267, %sort3A_268 = tpu.sort %max3A_264, %max3A_264 masked %sort3A_265 : (vector<16xf32>, vector<16xf32>, vector<16xi1>) -> (vector<16xi1>, vector<16xf32>, vector<16xf32>)
            scf.yield %sort3A_257, %sort3A_267 : vector<16xf32>, vector<16xf32>
          }
          %while3A_206 = arith.constant 1 : i32
          %while3A_207:2 = scf.for %while3A_229 = %while3A_203 to %while3A_199 step %while3A_206 iter_args(%while3A_230 = %while3A_205#0, %while3A_231 = %while3A_205#1) -> (vector<16xf32>, vector<16xf32>)  : i32 {
            %mul3A_232 = arith.constant 16 : i32
            %mul3A_233 = arith.muli %while3A_229, %mul3A_232 : i32
            %get3A = arith.index_cast %mul3A_233 : i32 to index
            %get3A_234 = tpu.vector_load %arg6[%get3A] {strides = array<i32>} : memref<1040xf32, #tpu.memory_space<vmem>>, vector<16xf32>,
            %sort3A_235 = arith.constant dense<true> : vector<16xi1>
            %sort3A_236, %sort3A_237, %sort3A_238 = tpu.sort %get3A_234, %get3A_234 masked %sort3A_235 : (vector<16xf32>, vector<16xf32>, vector<16xi1>) -> (vector<16xi1>, vector<16xf32>, vector<16xf32>)
            %rev3A_239 = arith.constant 15 : i32
            %rev3A_240 = vector.broadcast %rev3A_239 : i32 to vector<16xi32>
            %rev3A_241 = tpu.iota {dimensions = array<i32: 0>} : vector<16xi32>
            %rev3A_242 = arith.subi %rev3A_240, %rev3A_241 : vector<16xi32>
            %rev3A_243 = tpu.dynamic_gather %sort3A_237[%rev3A_242] in [0] : vector<16xf32>, vector<16xi32> -> vector<16xf32>
            %min3A_244 = arith.minimumf %while3A_231, %rev3A_243 : vector<16xf32>
            %sort3A_245 = arith.constant dense<true> : vector<16xi1>
            %sort3A_246, %sort3A_247, %sort3A_248 = tpu.sort %min3A_244, %min3A_244 masked %sort3A_245 : (vector<16xf32>, vector<16xf32>, vector<16xi1>) -> (vector<16xi1>, vector<16xf32>, vector<16xf32>)
            %rev3A_249 = arith.constant 15 : i32
            %rev3A_250 = vector.broadcast %rev3A_249 : i32 to vector<16xi32>
            %rev3A_251 = tpu.iota {dimensions = array<i32: 0>} : vector<16xi32>
            %rev3A_252 = arith.subi %rev3A_250, %rev3A_251 : vector<16xi32>
            %rev3A_253 = tpu.dynamic_gather %sort3A_247[%rev3A_252] in [0] : vector<16xf32>, vector<16xi32> -> vector<16xf32>
            %min3A_254 = arith.minimumf %while3A_230, %rev3A_253 : vector<16xf32>
            %sort3A_255 = arith.constant dense<true> : vector<16xi1>
            %sort3A_256, %sort3A_257, %sort3A_258 = tpu.sort %min3A_254, %min3A_254 masked %sort3A_255 : (vector<16xf32>, vector<16xf32>, vector<16xi1>) -> (vector<16xi1>, vector<16xf32>, vector<16xf32>)
            %rev3A_259 = arith.constant 15 : i32
            %rev3A_260 = vector.broadcast %rev3A_259 : i32 to vector<16xi32>
            %rev3A_261 = tpu.iota {dimensions = array<i32: 0>} : vector<16xi32>
            %rev3A_262 = arith.subi %rev3A_260, %rev3A_261 : vector<16xi32>
            %rev3A_263 = tpu.dynamic_gather %sort3A_247[%rev3A_262] in [0] : vector<16xf32>, vector<16xi32> -> vector<16xf32>
            %max3A_264 = arith.maximumf %while3A_230, %rev3A_263 : vector<16xf32>
            %sort3A_265 = arith.constant dense<true> : vector<16xi1>
            %sort3A_266, %sort3A_267, %sort3A_268 = tpu.sort %max3A_264, %max3A_264 masked %sort3A_265 : (vector<16xf32>, vector<16xf32>, vector<16xi1>) -> (vector<16xi1>, vector<16xf32>, vector<16xf32>)
            scf.yield %sort3A_257, %sort3A_267 : vector<16xf32>, vector<16xf32>
          }
          %reduce_sum3A_208 = arith.constant true
          %reduce_sum3A_209 = vector.broadcast %reduce_sum3A_208 : i1 to vector<16xi1>
          %reduce_sum3A_210 = tpu.scan <sum>, %while3A_207#0 masked %reduce_sum3A_209 : vector<16xf32>, vector<16xi1> -> vector<16xf32>
          %reduce_sum3A_211 = vector.extract %reduce_sum3A_210[15] : f32 from vector<16xf32>
          %le3A_212 = arith.constant 3 : i32
          %le3A_213 = vector.broadcast %le3A_212 : i32 to vector<16xi32>
          %le3A_214 = arith.cmpi sle, %iota3A, %le3A_213 : vector<16xi32>
          %jit3A_215 = arith.constant 0.000000e+00 : f32
          %broadcast_in_dim3A_216 = vector.broadcast %jit3A_215 : f32 to vector<16xf32>
          %select_n3A_217 = arith.select %le3A_214, %while3A_207#1, %broadcast_in_dim3A_216 : vector<16xi1>, vector<16xf32>
          %reduce_sum3A_218 = arith.constant true
          %reduce_sum3A_219 = vector.broadcast %reduce_sum3A_218 : i1 to vector<16xi1>
          %reduce_sum3A_220 = tpu.scan <sum>, %select_n3A_217 masked %reduce_sum3A_219 : vector<16xf32>, vector<16xi1> -> vector<16xf32>
          %reduce_sum3A_221 = vector.extract %reduce_sum3A_220[15] : f32 from vector<16xf32>
          %add3A_222 = arith.addf %reduce_sum3A_211, %reduce_sum3A_221 : f32
          %add3A_223 = arith.addf %add3A_196, %add3A_222 : f32
          %mul3A_224 = arith.constant 2.500000e-02 : f32
          %mul3A_225 = arith.mulf %add3A_223, %mul3A_224 : f32
          %eq3A = vector.broadcast %scan3A_46 : i32 to vector<16xi32>
          %eq3A_226 = arith.cmpi eq, %iota3A, %eq3A : vector<16xi32>
          %broadcast_in_dim3A_227 = vector.broadcast %mul3A_225 : f32 to vector<16xf32>
          %select_n3A_228 = arith.select %eq3A_226, %broadcast_in_dim3A_227, %scan3A_47 : vector<16xi1>, vector<16xf32>
          scf.yield %select_n3A_228 : vector<16xf32>
        }
        %scan3A_38 = arith.constant 16 : i32
        %mul3A_39 = arith.constant 32 : i32
        %mul3A_40 = arith.muli %scan3A_14, %mul3A_39 : i32
        %mul3A_41 = arith.constant 16 : i32
        %mul3A_42 = arith.muli %scan3A_29, %mul3A_41 : i32
        %add3A_43 = arith.addi %mul3A_40, %mul3A_42 : i32
        %swap3A = arith.index_cast %add3A_43 : i32 to index
        %swap3A_44 = tpu.vector_load %arg7[%swap3A] {strides = array<i32>} : memref<256xf32, #tpu.memory_space<vmem>>, vector<16xf32>,
        tpu.vector_store %arg7[%swap3A], %scan3A_37 {strides = array<i32>} : memref<256xf32, #tpu.memory_space<vmem>>, vector<16xf32>,
        %scan3A_45 = arith.constant 0 : i32
        scf.yield %scan3A_45 : i32
      }
      %scan3A_27 = arith.constant 2 : i32
      %scan3A_28 = arith.constant 0 : i32
      scf.yield %scan3A_28 : i32
    }
    %scan3A_11 = arith.constant 8 : i32
    %mul3A_12 = arith.constant 256 : i32
    %mul3A_13 = arith.muli %add3A, %mul3A_12 : i32
    "tpu.region"() ({
      %run_scoped3A = tpu.sem_alloc : memref<!tpu.dma_semaphore, #tpu.memory_space<semaphore_mem>>
      %dma_start3A = tpu.memref_slice %arg3[%mul3A_13] : memref<8192xf32, #tpu.memory_space<hbm>> -> memref<256xf32, #tpu.memory_space<hbm>>
      %dma_start3A_14 = tpu.memref_slice %arg3[%mul3A_13] : memref<8192xf32, #tpu.memory_space<hbm>> -> memref<256xf32, #tpu.memory_space<hbm>>
      tpu.enqueue_dma source(%arg7 : memref<256xf32, #tpu.memory_space<vmem>>) target(%dma_start3A_14 : memref<256xf32, #tpu.memory_space<hbm>>) target_semaphore(%run_scoped3A : memref<!tpu.dma_semaphore, #tpu.memory_space<semaphore_mem>>)
      %dma_wait3A = tpu.memref_slice %arg3[%mul3A_13] : memref<8192xf32, #tpu.memory_space<hbm>> -> memref<256xf32, #tpu.memory_space<hbm>>
      %dma_wait3A_15 = tpu.memref_slice %arg3[%mul3A_13] : memref<8192xf32, #tpu.memory_space<hbm>> -> memref<256xf32, #tpu.memory_space<hbm>>
      tpu.wait_dma2 semaphore(%run_scoped3A : memref<!tpu.dma_semaphore, #tpu.memory_space<semaphore_mem>>) src(%arg7 : memref<256xf32, #tpu.memory_space<vmem>>) dst(%dma_wait3A_15 : memref<256xf32, #tpu.memory_space<hbm>>)
      tpu.yield
    }) : () -> ()
    return
  }
}

module attributes {stable_mosaic.version = 14 : i64} {
  func.func @_body(%arg0: i32, %arg1: memref<512x1024xf32, #tpu.memory_space<vmem>>, %arg2: memref<512xf32, #tpu.memory_space<vmem>>) attributes {dimension_semantics = [#tpu.dimension_semantics<arbitrary>], iteration_bounds = array<i64: 32>, scalar_prefetch = 0 : i64, scratch_operands = 0 : i64, tpu.core_type = #tpu.core_type<tc>, window_params = [{transform_indices = @transform_0, window_bounds = array<i64: 512, 1024>}, {transform_indices = @transform_1, window_bounds = array<i64: 512>}]} {
    %get3A = arith.constant 0 : index
    %get3A_0 = arith.constant 0 : index
    %get3A_1 = vector.load %arg1[%get3A, %get3A_0] : memref<512x1024xf32, #tpu.memory_space<vmem>>, vector<512x1024xf32>
    %bitcast_convert_type3A = tpu.bitcast %get3A_1 : vector<512x1024xf32> -> vector<512x1024xi32>
    %shift_right_arithmetic3A = arith.constant 31 : i32
    %shift_right_arithmetic3A_2 = vector.broadcast %shift_right_arithmetic3A : i32 to vector<512x1024xi32>
    %shift_right_arithmetic3A_3 = arith.shrsi %bitcast_convert_type3A, %shift_right_arithmetic3A_2 : vector<512x1024xi32>
    %and3A = arith.constant 2147483647 : i32
    %and3A_4 = vector.broadcast %and3A : i32 to vector<512x1024xi32>
    %and3A_5 = arith.andi %shift_right_arithmetic3A_3, %and3A_4 : vector<512x1024xi32>
    %xor3A = arith.xori %bitcast_convert_type3A, %and3A_5 : vector<512x1024xi32>
    %broadcast_in_dim3A = arith.constant 0 : i32
    %broadcast_in_dim3A_6 = vector.broadcast %broadcast_in_dim3A : i32 to vector<512x1xi32>
    %broadcast_in_dim3A_7 = arith.constant 0 : i32
    %broadcast_in_dim3A_8 = vector.broadcast %broadcast_in_dim3A_7 : i32 to vector<512x1xi32>
    %or3A = arith.constant -2147483648 : i32
    %or3A_9 = vector.broadcast %or3A : i32 to vector<512x1xi32>
    %or3A_10 = arith.ori %broadcast_in_dim3A_6, %or3A_9 : vector<512x1xi32>
    %or3A_11 = arith.constant -2147483648 : i32
    %or3A_12 = vector.broadcast %or3A_11 : i32 to vector<512x1xi32>
    %or3A_13 = arith.ori %broadcast_in_dim3A_8, %or3A_12 : vector<512x1xi32>
    %xor3A_14 = arith.constant -2147483648 : i32
    %xor3A_15 = vector.broadcast %xor3A_14 : i32 to vector<512x1xi32>
    %xor3A_16 = arith.xori %or3A_10, %xor3A_15 : vector<512x1xi32>
    %ge3A = vector.broadcast %xor3A_16 : vector<512x1xi32> to vector<512x1024xi32>
    %ge3A_17 = arith.cmpi sge, %xor3A, %ge3A : vector<512x1024xi32>
    %convert_element_type3A = arith.extui %ge3A_17 : vector<512x1024xi1> to vector<512x1024xi32>
    %convert_element_type3A_18 = arith.sitofp %convert_element_type3A : vector<512x1024xi32> to vector<512x1024xf32>
    %reduce_sum3A = arith.constant dense<0.000000e+00> : vector<512xf32>
    %reduce_sum3A_19 = vector.multi_reduction <add>, %convert_element_type3A_18, %reduce_sum3A [1] : vector<512x1024xf32> to vector<512xf32>
    %broadcast_in_dim3A_20 = vector.shape_cast %reduce_sum3A_19 : vector<512xf32> to vector<512x1xf32>
    %not3A = arith.constant dense<-1> : vector<512x1xi32>
    %not3A_21 = arith.xori %or3A_13, %not3A : vector<512x1xi32>
    %xor3A_22 = arith.constant -2147483648 : i32
    %xor3A_23 = vector.broadcast %xor3A_22 : i32 to vector<512x1xi32>
    %xor3A_24 = arith.xori %not3A_21, %xor3A_23 : vector<512x1xi32>
    %le3A = vector.broadcast %xor3A_24 : vector<512x1xi32> to vector<512x1024xi32>
    %le3A_25 = arith.cmpi sle, %xor3A, %le3A : vector<512x1024xi32>
    %convert_element_type3A_26 = arith.extui %le3A_25 : vector<512x1024xi1> to vector<512x1024xi32>
    %convert_element_type3A_27 = arith.sitofp %convert_element_type3A_26 : vector<512x1024xi32> to vector<512x1024xf32>
    %reduce_sum3A_28 = arith.constant dense<0.000000e+00> : vector<512xf32>
    %reduce_sum3A_29 = vector.multi_reduction <add>, %convert_element_type3A_27, %reduce_sum3A_28 [1] : vector<512x1024xf32> to vector<512xf32>
    %broadcast_in_dim3A_30 = vector.shape_cast %reduce_sum3A_29 : vector<512xf32> to vector<512x1xf32>
    %ge3A_31 = arith.constant 2.000000e+01 : f32
    %ge3A_32 = vector.broadcast %ge3A_31 : f32 to vector<512x1xf32>
    %ge3A_33 = arith.cmpf oge, %broadcast_in_dim3A_20, %ge3A_32 : vector<512x1xf32>
    %select_n3A = arith.select %ge3A_33, %or3A_10, %broadcast_in_dim3A_6 : vector<512x1xi1>, vector<512x1xi32>
    %ge3A_34 = arith.constant 2.000000e+01 : f32
    %ge3A_35 = vector.broadcast %ge3A_34 : f32 to vector<512x1xf32>
    %ge3A_36 = arith.cmpf oge, %broadcast_in_dim3A_30, %ge3A_35 : vector<512x1xf32>
    %select_n3A_37 = arith.select %ge3A_36, %or3A_13, %broadcast_in_dim3A_8 : vector<512x1xi1>, vector<512x1xi32>
    %or3A_38 = arith.constant 1073741824 : i32
    %or3A_39 = vector.broadcast %or3A_38 : i32 to vector<512x1xi32>
    %or3A_40 = arith.ori %select_n3A, %or3A_39 : vector<512x1xi32>
    %or3A_41 = arith.constant 1073741824 : i32
    %or3A_42 = vector.broadcast %or3A_41 : i32 to vector<512x1xi32>
    %or3A_43 = arith.ori %select_n3A_37, %or3A_42 : vector<512x1xi32>
    %xor3A_44 = arith.constant -2147483648 : i32
    %xor3A_45 = vector.broadcast %xor3A_44 : i32 to vector<512x1xi32>
    %xor3A_46 = arith.xori %or3A_40, %xor3A_45 : vector<512x1xi32>
    %ge3A_47 = vector.broadcast %xor3A_46 : vector<512x1xi32> to vector<512x1024xi32>
    %ge3A_48 = arith.cmpi sge, %xor3A, %ge3A_47 : vector<512x1024xi32>
    %convert_element_type3A_49 = arith.extui %ge3A_48 : vector<512x1024xi1> to vector<512x1024xi32>
    %convert_element_type3A_50 = arith.sitofp %convert_element_type3A_49 : vector<512x1024xi32> to vector<512x1024xf32>
    %reduce_sum3A_51 = arith.constant dense<0.000000e+00> : vector<512xf32>
    %reduce_sum3A_52 = vector.multi_reduction <add>, %convert_element_type3A_50, %reduce_sum3A_51 [1] : vector<512x1024xf32> to vector<512xf32>
    %broadcast_in_dim3A_53 = vector.shape_cast %reduce_sum3A_52 : vector<512xf32> to vector<512x1xf32>
    %not3A_54 = arith.constant dense<-1> : vector<512x1xi32>
    %not3A_55 = arith.xori %or3A_43, %not3A_54 : vector<512x1xi32>
    %xor3A_56 = arith.constant -2147483648 : i32
    %xor3A_57 = vector.broadcast %xor3A_56 : i32 to vector<512x1xi32>
    %xor3A_58 = arith.xori %not3A_55, %xor3A_57 : vector<512x1xi32>
    %le3A_59 = vector.broadcast %xor3A_58 : vector<512x1xi32> to vector<512x1024xi32>
    %le3A_60 = arith.cmpi sle, %xor3A, %le3A_59 : vector<512x1024xi32>
    %convert_element_type3A_61 = arith.extui %le3A_60 : vector<512x1024xi1> to vector<512x1024xi32>
    %convert_element_type3A_62 = arith.sitofp %convert_element_type3A_61 : vector<512x1024xi32> to vector<512x1024xf32>
    %reduce_sum3A_63 = arith.constant dense<0.000000e+00> : vector<512xf32>
    %reduce_sum3A_64 = vector.multi_reduction <add>, %convert_element_type3A_62, %reduce_sum3A_63 [1] : vector<512x1024xf32> to vector<512xf32>
    %broadcast_in_dim3A_65 = vector.shape_cast %reduce_sum3A_64 : vector<512xf32> to vector<512x1xf32>
    %ge3A_66 = arith.constant 2.000000e+01 : f32
    %ge3A_67 = vector.broadcast %ge3A_66 : f32 to vector<512x1xf32>
    %ge3A_68 = arith.cmpf oge, %broadcast_in_dim3A_53, %ge3A_67 : vector<512x1xf32>
    %select_n3A_69 = arith.select %ge3A_68, %or3A_40, %select_n3A : vector<512x1xi1>, vector<512x1xi32>
    %ge3A_70 = arith.constant 2.000000e+01 : f32
    %ge3A_71 = vector.broadcast %ge3A_70 : f32 to vector<512x1xf32>
    %ge3A_72 = arith.cmpf oge, %broadcast_in_dim3A_65, %ge3A_71 : vector<512x1xf32>
    %select_n3A_73 = arith.select %ge3A_72, %or3A_43, %select_n3A_37 : vector<512x1xi1>, vector<512x1xi32>
    %or3A_74 = arith.constant 536870912 : i32
    %or3A_75 = vector.broadcast %or3A_74 : i32 to vector<512x1xi32>
    %or3A_76 = arith.ori %select_n3A_69, %or3A_75 : vector<512x1xi32>
    %or3A_77 = arith.constant 536870912 : i32
    %or3A_78 = vector.broadcast %or3A_77 : i32 to vector<512x1xi32>
    %or3A_79 = arith.ori %select_n3A_73, %or3A_78 : vector<512x1xi32>
    %xor3A_80 = arith.constant -2147483648 : i32
    %xor3A_81 = vector.broadcast %xor3A_80 : i32 to vector<512x1xi32>
    %xor3A_82 = arith.xori %or3A_76, %xor3A_81 : vector<512x1xi32>
    %ge3A_83 = vector.broadcast %xor3A_82 : vector<512x1xi32> to vector<512x1024xi32>
    %ge3A_84 = arith.cmpi sge, %xor3A, %ge3A_83 : vector<512x1024xi32>
    %convert_element_type3A_85 = arith.extui %ge3A_84 : vector<512x1024xi1> to vector<512x1024xi32>
    %convert_element_type3A_86 = arith.sitofp %convert_element_type3A_85 : vector<512x1024xi32> to vector<512x1024xf32>
    %reduce_sum3A_87 = arith.constant dense<0.000000e+00> : vector<512xf32>
    %reduce_sum3A_88 = vector.multi_reduction <add>, %convert_element_type3A_86, %reduce_sum3A_87 [1] : vector<512x1024xf32> to vector<512xf32>
    %broadcast_in_dim3A_89 = vector.shape_cast %reduce_sum3A_88 : vector<512xf32> to vector<512x1xf32>
    %not3A_90 = arith.constant dense<-1> : vector<512x1xi32>
    %not3A_91 = arith.xori %or3A_79, %not3A_90 : vector<512x1xi32>
    %xor3A_92 = arith.constant -2147483648 : i32
    %xor3A_93 = vector.broadcast %xor3A_92 : i32 to vector<512x1xi32>
    %xor3A_94 = arith.xori %not3A_91, %xor3A_93 : vector<512x1xi32>
    %le3A_95 = vector.broadcast %xor3A_94 : vector<512x1xi32> to vector<512x1024xi32>
    %le3A_96 = arith.cmpi sle, %xor3A, %le3A_95 : vector<512x1024xi32>
    %convert_element_type3A_97 = arith.extui %le3A_96 : vector<512x1024xi1> to vector<512x1024xi32>
    %convert_element_type3A_98 = arith.sitofp %convert_element_type3A_97 : vector<512x1024xi32> to vector<512x1024xf32>
    %reduce_sum3A_99 = arith.constant dense<0.000000e+00> : vector<512xf32>
    %reduce_sum3A_100 = vector.multi_reduction <add>, %convert_element_type3A_98, %reduce_sum3A_99 [1] : vector<512x1024xf32> to vector<512xf32>
    %broadcast_in_dim3A_101 = vector.shape_cast %reduce_sum3A_100 : vector<512xf32> to vector<512x1xf32>
    %ge3A_102 = arith.constant 2.000000e+01 : f32
    %ge3A_103 = vector.broadcast %ge3A_102 : f32 to vector<512x1xf32>
    %ge3A_104 = arith.cmpf oge, %broadcast_in_dim3A_89, %ge3A_103 : vector<512x1xf32>
    %select_n3A_105 = arith.select %ge3A_104, %or3A_76, %select_n3A_69 : vector<512x1xi1>, vector<512x1xi32>
    %ge3A_106 = arith.constant 2.000000e+01 : f32
    %ge3A_107 = vector.broadcast %ge3A_106 : f32 to vector<512x1xf32>
    %ge3A_108 = arith.cmpf oge, %broadcast_in_dim3A_101, %ge3A_107 : vector<512x1xf32>
    %select_n3A_109 = arith.select %ge3A_108, %or3A_79, %select_n3A_73 : vector<512x1xi1>, vector<512x1xi32>
    %or3A_110 = arith.constant 268435456 : i32
    %or3A_111 = vector.broadcast %or3A_110 : i32 to vector<512x1xi32>
    %or3A_112 = arith.ori %select_n3A_105, %or3A_111 : vector<512x1xi32>
    %or3A_113 = arith.constant 268435456 : i32
    %or3A_114 = vector.broadcast %or3A_113 : i32 to vector<512x1xi32>
    %or3A_115 = arith.ori %select_n3A_109, %or3A_114 : vector<512x1xi32>
    %xor3A_116 = arith.constant -2147483648 : i32
    %xor3A_117 = vector.broadcast %xor3A_116 : i32 to vector<512x1xi32>
    %xor3A_118 = arith.xori %or3A_112, %xor3A_117 : vector<512x1xi32>
    %ge3A_119 = vector.broadcast %xor3A_118 : vector<512x1xi32> to vector<512x1024xi32>
    %ge3A_120 = arith.cmpi sge, %xor3A, %ge3A_119 : vector<512x1024xi32>
    %convert_element_type3A_121 = arith.extui %ge3A_120 : vector<512x1024xi1> to vector<512x1024xi32>
    %convert_element_type3A_122 = arith.sitofp %convert_element_type3A_121 : vector<512x1024xi32> to vector<512x1024xf32>
    %reduce_sum3A_123 = arith.constant dense<0.000000e+00> : vector<512xf32>
    %reduce_sum3A_124 = vector.multi_reduction <add>, %convert_element_type3A_122, %reduce_sum3A_123 [1] : vector<512x1024xf32> to vector<512xf32>
    %broadcast_in_dim3A_125 = vector.shape_cast %reduce_sum3A_124 : vector<512xf32> to vector<512x1xf32>
    %not3A_126 = arith.constant dense<-1> : vector<512x1xi32>
    %not3A_127 = arith.xori %or3A_115, %not3A_126 : vector<512x1xi32>
    %xor3A_128 = arith.constant -2147483648 : i32
    %xor3A_129 = vector.broadcast %xor3A_128 : i32 to vector<512x1xi32>
    %xor3A_130 = arith.xori %not3A_127, %xor3A_129 : vector<512x1xi32>
    %le3A_131 = vector.broadcast %xor3A_130 : vector<512x1xi32> to vector<512x1024xi32>
    %le3A_132 = arith.cmpi sle, %xor3A, %le3A_131 : vector<512x1024xi32>
    %convert_element_type3A_133 = arith.extui %le3A_132 : vector<512x1024xi1> to vector<512x1024xi32>
    %convert_element_type3A_134 = arith.sitofp %convert_element_type3A_133 : vector<512x1024xi32> to vector<512x1024xf32>
    %reduce_sum3A_135 = arith.constant dense<0.000000e+00> : vector<512xf32>
    %reduce_sum3A_136 = vector.multi_reduction <add>, %convert_element_type3A_134, %reduce_sum3A_135 [1] : vector<512x1024xf32> to vector<512xf32>
    %broadcast_in_dim3A_137 = vector.shape_cast %reduce_sum3A_136 : vector<512xf32> to vector<512x1xf32>
    %ge3A_138 = arith.constant 2.000000e+01 : f32
    %ge3A_139 = vector.broadcast %ge3A_138 : f32 to vector<512x1xf32>
    %ge3A_140 = arith.cmpf oge, %broadcast_in_dim3A_125, %ge3A_139 : vector<512x1xf32>
    %select_n3A_141 = arith.select %ge3A_140, %or3A_112, %select_n3A_105 : vector<512x1xi1>, vector<512x1xi32>
    %ge3A_142 = arith.constant 2.000000e+01 : f32
    %ge3A_143 = vector.broadcast %ge3A_142 : f32 to vector<512x1xf32>
    %ge3A_144 = arith.cmpf oge, %broadcast_in_dim3A_137, %ge3A_143 : vector<512x1xf32>
    %select_n3A_145 = arith.select %ge3A_144, %or3A_115, %select_n3A_109 : vector<512x1xi1>, vector<512x1xi32>
    %or3A_146 = arith.constant 134217728 : i32
    %or3A_147 = vector.broadcast %or3A_146 : i32 to vector<512x1xi32>
    %or3A_148 = arith.ori %select_n3A_141, %or3A_147 : vector<512x1xi32>
    %or3A_149 = arith.constant 134217728 : i32
    %or3A_150 = vector.broadcast %or3A_149 : i32 to vector<512x1xi32>
    %or3A_151 = arith.ori %select_n3A_145, %or3A_150 : vector<512x1xi32>
    %xor3A_152 = arith.constant -2147483648 : i32
    %xor3A_153 = vector.broadcast %xor3A_152 : i32 to vector<512x1xi32>
    %xor3A_154 = arith.xori %or3A_148, %xor3A_153 : vector<512x1xi32>
    %ge3A_155 = vector.broadcast %xor3A_154 : vector<512x1xi32> to vector<512x1024xi32>
    %ge3A_156 = arith.cmpi sge, %xor3A, %ge3A_155 : vector<512x1024xi32>
    %convert_element_type3A_157 = arith.extui %ge3A_156 : vector<512x1024xi1> to vector<512x1024xi32>
    %convert_element_type3A_158 = arith.sitofp %convert_element_type3A_157 : vector<512x1024xi32> to vector<512x1024xf32>
    %reduce_sum3A_159 = arith.constant dense<0.000000e+00> : vector<512xf32>
    %reduce_sum3A_160 = vector.multi_reduction <add>, %convert_element_type3A_158, %reduce_sum3A_159 [1] : vector<512x1024xf32> to vector<512xf32>
    %broadcast_in_dim3A_161 = vector.shape_cast %reduce_sum3A_160 : vector<512xf32> to vector<512x1xf32>
    %not3A_162 = arith.constant dense<-1> : vector<512x1xi32>
    %not3A_163 = arith.xori %or3A_151, %not3A_162 : vector<512x1xi32>
    %xor3A_164 = arith.constant -2147483648 : i32
    %xor3A_165 = vector.broadcast %xor3A_164 : i32 to vector<512x1xi32>
    %xor3A_166 = arith.xori %not3A_163, %xor3A_165 : vector<512x1xi32>
    %le3A_167 = vector.broadcast %xor3A_166 : vector<512x1xi32> to vector<512x1024xi32>
    %le3A_168 = arith.cmpi sle, %xor3A, %le3A_167 : vector<512x1024xi32>
    %convert_element_type3A_169 = arith.extui %le3A_168 : vector<512x1024xi1> to vector<512x1024xi32>
    %convert_element_type3A_170 = arith.sitofp %convert_element_type3A_169 : vector<512x1024xi32> to vector<512x1024xf32>
    %reduce_sum3A_171 = arith.constant dense<0.000000e+00> : vector<512xf32>
    %reduce_sum3A_172 = vector.multi_reduction <add>, %convert_element_type3A_170, %reduce_sum3A_171 [1] : vector<512x1024xf32> to vector<512xf32>
    %broadcast_in_dim3A_173 = vector.shape_cast %reduce_sum3A_172 : vector<512xf32> to vector<512x1xf32>
    %ge3A_174 = arith.constant 2.000000e+01 : f32
    %ge3A_175 = vector.broadcast %ge3A_174 : f32 to vector<512x1xf32>
    %ge3A_176 = arith.cmpf oge, %broadcast_in_dim3A_161, %ge3A_175 : vector<512x1xf32>
    %select_n3A_177 = arith.select %ge3A_176, %or3A_148, %select_n3A_141 : vector<512x1xi1>, vector<512x1xi32>
    %ge3A_178 = arith.constant 2.000000e+01 : f32
    %ge3A_179 = vector.broadcast %ge3A_178 : f32 to vector<512x1xf32>
    %ge3A_180 = arith.cmpf oge, %broadcast_in_dim3A_173, %ge3A_179 : vector<512x1xf32>
    %select_n3A_181 = arith.select %ge3A_180, %or3A_151, %select_n3A_145 : vector<512x1xi1>, vector<512x1xi32>
    %or3A_182 = arith.constant 67108864 : i32
    %or3A_183 = vector.broadcast %or3A_182 : i32 to vector<512x1xi32>
    %or3A_184 = arith.ori %select_n3A_177, %or3A_183 : vector<512x1xi32>
    %or3A_185 = arith.constant 67108864 : i32
    %or3A_186 = vector.broadcast %or3A_185 : i32 to vector<512x1xi32>
    %or3A_187 = arith.ori %select_n3A_181, %or3A_186 : vector<512x1xi32>
    %xor3A_188 = arith.constant -2147483648 : i32
    %xor3A_189 = vector.broadcast %xor3A_188 : i32 to vector<512x1xi32>
    %xor3A_190 = arith.xori %or3A_184, %xor3A_189 : vector<512x1xi32>
    %ge3A_191 = vector.broadcast %xor3A_190 : vector<512x1xi32> to vector<512x1024xi32>
    %ge3A_192 = arith.cmpi sge, %xor3A, %ge3A_191 : vector<512x1024xi32>
    %convert_element_type3A_193 = arith.extui %ge3A_192 : vector<512x1024xi1> to vector<512x1024xi32>
    %convert_element_type3A_194 = arith.sitofp %convert_element_type3A_193 : vector<512x1024xi32> to vector<512x1024xf32>
    %reduce_sum3A_195 = arith.constant dense<0.000000e+00> : vector<512xf32>
    %reduce_sum3A_196 = vector.multi_reduction <add>, %convert_element_type3A_194, %reduce_sum3A_195 [1] : vector<512x1024xf32> to vector<512xf32>
    %broadcast_in_dim3A_197 = vector.shape_cast %reduce_sum3A_196 : vector<512xf32> to vector<512x1xf32>
    %not3A_198 = arith.constant dense<-1> : vector<512x1xi32>
    %not3A_199 = arith.xori %or3A_187, %not3A_198 : vector<512x1xi32>
    %xor3A_200 = arith.constant -2147483648 : i32
    %xor3A_201 = vector.broadcast %xor3A_200 : i32 to vector<512x1xi32>
    %xor3A_202 = arith.xori %not3A_199, %xor3A_201 : vector<512x1xi32>
    %le3A_203 = vector.broadcast %xor3A_202 : vector<512x1xi32> to vector<512x1024xi32>
    %le3A_204 = arith.cmpi sle, %xor3A, %le3A_203 : vector<512x1024xi32>
    %convert_element_type3A_205 = arith.extui %le3A_204 : vector<512x1024xi1> to vector<512x1024xi32>
    %convert_element_type3A_206 = arith.sitofp %convert_element_type3A_205 : vector<512x1024xi32> to vector<512x1024xf32>
    %reduce_sum3A_207 = arith.constant dense<0.000000e+00> : vector<512xf32>
    %reduce_sum3A_208 = vector.multi_reduction <add>, %convert_element_type3A_206, %reduce_sum3A_207 [1] : vector<512x1024xf32> to vector<512xf32>
    %broadcast_in_dim3A_209 = vector.shape_cast %reduce_sum3A_208 : vector<512xf32> to vector<512x1xf32>
    %ge3A_210 = arith.constant 2.000000e+01 : f32
    %ge3A_211 = vector.broadcast %ge3A_210 : f32 to vector<512x1xf32>
    %ge3A_212 = arith.cmpf oge, %broadcast_in_dim3A_197, %ge3A_211 : vector<512x1xf32>
    %select_n3A_213 = arith.select %ge3A_212, %or3A_184, %select_n3A_177 : vector<512x1xi1>, vector<512x1xi32>
    %ge3A_214 = arith.constant 2.000000e+01 : f32
    %ge3A_215 = vector.broadcast %ge3A_214 : f32 to vector<512x1xf32>
    %ge3A_216 = arith.cmpf oge, %broadcast_in_dim3A_209, %ge3A_215 : vector<512x1xf32>
    %select_n3A_217 = arith.select %ge3A_216, %or3A_187, %select_n3A_181 : vector<512x1xi1>, vector<512x1xi32>
    %or3A_218 = arith.constant 33554432 : i32
    %or3A_219 = vector.broadcast %or3A_218 : i32 to vector<512x1xi32>
    %or3A_220 = arith.ori %select_n3A_213, %or3A_219 : vector<512x1xi32>
    %or3A_221 = arith.constant 33554432 : i32
    %or3A_222 = vector.broadcast %or3A_221 : i32 to vector<512x1xi32>
    %or3A_223 = arith.ori %select_n3A_217, %or3A_222 : vector<512x1xi32>
    %xor3A_224 = arith.constant -2147483648 : i32
    %xor3A_225 = vector.broadcast %xor3A_224 : i32 to vector<512x1xi32>
    %xor3A_226 = arith.xori %or3A_220, %xor3A_225 : vector<512x1xi32>
    %ge3A_227 = vector.broadcast %xor3A_226 : vector<512x1xi32> to vector<512x1024xi32>
    %ge3A_228 = arith.cmpi sge, %xor3A, %ge3A_227 : vector<512x1024xi32>
    %convert_element_type3A_229 = arith.extui %ge3A_228 : vector<512x1024xi1> to vector<512x1024xi32>
    %convert_element_type3A_230 = arith.sitofp %convert_element_type3A_229 : vector<512x1024xi32> to vector<512x1024xf32>
    %reduce_sum3A_231 = arith.constant dense<0.000000e+00> : vector<512xf32>
    %reduce_sum3A_232 = vector.multi_reduction <add>, %convert_element_type3A_230, %reduce_sum3A_231 [1] : vector<512x1024xf32> to vector<512xf32>
    %broadcast_in_dim3A_233 = vector.shape_cast %reduce_sum3A_232 : vector<512xf32> to vector<512x1xf32>
    %not3A_234 = arith.constant dense<-1> : vector<512x1xi32>
    %not3A_235 = arith.xori %or3A_223, %not3A_234 : vector<512x1xi32>
    %xor3A_236 = arith.constant -2147483648 : i32
    %xor3A_237 = vector.broadcast %xor3A_236 : i32 to vector<512x1xi32>
    %xor3A_238 = arith.xori %not3A_235, %xor3A_237 : vector<512x1xi32>
    %le3A_239 = vector.broadcast %xor3A_238 : vector<512x1xi32> to vector<512x1024xi32>
    %le3A_240 = arith.cmpi sle, %xor3A, %le3A_239 : vector<512x1024xi32>
    %convert_element_type3A_241 = arith.extui %le3A_240 : vector<512x1024xi1> to vector<512x1024xi32>
    %convert_element_type3A_242 = arith.sitofp %convert_element_type3A_241 : vector<512x1024xi32> to vector<512x1024xf32>
    %reduce_sum3A_243 = arith.constant dense<0.000000e+00> : vector<512xf32>
    %reduce_sum3A_244 = vector.multi_reduction <add>, %convert_element_type3A_242, %reduce_sum3A_243 [1] : vector<512x1024xf32> to vector<512xf32>
    %broadcast_in_dim3A_245 = vector.shape_cast %reduce_sum3A_244 : vector<512xf32> to vector<512x1xf32>
    %ge3A_246 = arith.constant 2.000000e+01 : f32
    %ge3A_247 = vector.broadcast %ge3A_246 : f32 to vector<512x1xf32>
    %ge3A_248 = arith.cmpf oge, %broadcast_in_dim3A_233, %ge3A_247 : vector<512x1xf32>
    %select_n3A_249 = arith.select %ge3A_248, %or3A_220, %select_n3A_213 : vector<512x1xi1>, vector<512x1xi32>
    %ge3A_250 = arith.constant 2.000000e+01 : f32
    %ge3A_251 = vector.broadcast %ge3A_250 : f32 to vector<512x1xf32>
    %ge3A_252 = arith.cmpf oge, %broadcast_in_dim3A_245, %ge3A_251 : vector<512x1xf32>
    %select_n3A_253 = arith.select %ge3A_252, %or3A_223, %select_n3A_217 : vector<512x1xi1>, vector<512x1xi32>
    %or3A_254 = arith.constant 16777216 : i32
    %or3A_255 = vector.broadcast %or3A_254 : i32 to vector<512x1xi32>
    %or3A_256 = arith.ori %select_n3A_249, %or3A_255 : vector<512x1xi32>
    %or3A_257 = arith.constant 16777216 : i32
    %or3A_258 = vector.broadcast %or3A_257 : i32 to vector<512x1xi32>
    %or3A_259 = arith.ori %select_n3A_253, %or3A_258 : vector<512x1xi32>
    %xor3A_260 = arith.constant -2147483648 : i32
    %xor3A_261 = vector.broadcast %xor3A_260 : i32 to vector<512x1xi32>
    %xor3A_262 = arith.xori %or3A_256, %xor3A_261 : vector<512x1xi32>
    %ge3A_263 = vector.broadcast %xor3A_262 : vector<512x1xi32> to vector<512x1024xi32>
    %ge3A_264 = arith.cmpi sge, %xor3A, %ge3A_263 : vector<512x1024xi32>
    %convert_element_type3A_265 = arith.extui %ge3A_264 : vector<512x1024xi1> to vector<512x1024xi32>
    %convert_element_type3A_266 = arith.sitofp %convert_element_type3A_265 : vector<512x1024xi32> to vector<512x1024xf32>
    %reduce_sum3A_267 = arith.constant dense<0.000000e+00> : vector<512xf32>
    %reduce_sum3A_268 = vector.multi_reduction <add>, %convert_element_type3A_266, %reduce_sum3A_267 [1] : vector<512x1024xf32> to vector<512xf32>
    %broadcast_in_dim3A_269 = vector.shape_cast %reduce_sum3A_268 : vector<512xf32> to vector<512x1xf32>
    %not3A_270 = arith.constant dense<-1> : vector<512x1xi32>
    %not3A_271 = arith.xori %or3A_259, %not3A_270 : vector<512x1xi32>
    %xor3A_272 = arith.constant -2147483648 : i32
    %xor3A_273 = vector.broadcast %xor3A_272 : i32 to vector<512x1xi32>
    %xor3A_274 = arith.xori %not3A_271, %xor3A_273 : vector<512x1xi32>
    %le3A_275 = vector.broadcast %xor3A_274 : vector<512x1xi32> to vector<512x1024xi32>
    %le3A_276 = arith.cmpi sle, %xor3A, %le3A_275 : vector<512x1024xi32>
    %convert_element_type3A_277 = arith.extui %le3A_276 : vector<512x1024xi1> to vector<512x1024xi32>
    %convert_element_type3A_278 = arith.sitofp %convert_element_type3A_277 : vector<512x1024xi32> to vector<512x1024xf32>
    %reduce_sum3A_279 = arith.constant dense<0.000000e+00> : vector<512xf32>
    %reduce_sum3A_280 = vector.multi_reduction <add>, %convert_element_type3A_278, %reduce_sum3A_279 [1] : vector<512x1024xf32> to vector<512xf32>
    %broadcast_in_dim3A_281 = vector.shape_cast %reduce_sum3A_280 : vector<512xf32> to vector<512x1xf32>
    %ge3A_282 = arith.constant 2.000000e+01 : f32
    %ge3A_283 = vector.broadcast %ge3A_282 : f32 to vector<512x1xf32>
    %ge3A_284 = arith.cmpf oge, %broadcast_in_dim3A_269, %ge3A_283 : vector<512x1xf32>
    %select_n3A_285 = arith.select %ge3A_284, %or3A_256, %select_n3A_249 : vector<512x1xi1>, vector<512x1xi32>
    %ge3A_286 = arith.constant 2.000000e+01 : f32
    %ge3A_287 = vector.broadcast %ge3A_286 : f32 to vector<512x1xf32>
    %ge3A_288 = arith.cmpf oge, %broadcast_in_dim3A_281, %ge3A_287 : vector<512x1xf32>
    %select_n3A_289 = arith.select %ge3A_288, %or3A_259, %select_n3A_253 : vector<512x1xi1>, vector<512x1xi32>
    %or3A_290 = arith.constant 8388608 : i32
    %or3A_291 = vector.broadcast %or3A_290 : i32 to vector<512x1xi32>
    %or3A_292 = arith.ori %select_n3A_285, %or3A_291 : vector<512x1xi32>
    %or3A_293 = arith.constant 8388608 : i32
    %or3A_294 = vector.broadcast %or3A_293 : i32 to vector<512x1xi32>
    %or3A_295 = arith.ori %select_n3A_289, %or3A_294 : vector<512x1xi32>
    %xor3A_296 = arith.constant -2147483648 : i32
    %xor3A_297 = vector.broadcast %xor3A_296 : i32 to vector<512x1xi32>
    %xor3A_298 = arith.xori %or3A_292, %xor3A_297 : vector<512x1xi32>
    %ge3A_299 = vector.broadcast %xor3A_298 : vector<512x1xi32> to vector<512x1024xi32>
    %ge3A_300 = arith.cmpi sge, %xor3A, %ge3A_299 : vector<512x1024xi32>
    %convert_element_type3A_301 = arith.extui %ge3A_300 : vector<512x1024xi1> to vector<512x1024xi32>
    %convert_element_type3A_302 = arith.sitofp %convert_element_type3A_301 : vector<512x1024xi32> to vector<512x1024xf32>
    %reduce_sum3A_303 = arith.constant dense<0.000000e+00> : vector<512xf32>
    %reduce_sum3A_304 = vector.multi_reduction <add>, %convert_element_type3A_302, %reduce_sum3A_303 [1] : vector<512x1024xf32> to vector<512xf32>
    %broadcast_in_dim3A_305 = vector.shape_cast %reduce_sum3A_304 : vector<512xf32> to vector<512x1xf32>
    %not3A_306 = arith.constant dense<-1> : vector<512x1xi32>
    %not3A_307 = arith.xori %or3A_295, %not3A_306 : vector<512x1xi32>
    %xor3A_308 = arith.constant -2147483648 : i32
    %xor3A_309 = vector.broadcast %xor3A_308 : i32 to vector<512x1xi32>
    %xor3A_310 = arith.xori %not3A_307, %xor3A_309 : vector<512x1xi32>
    %le3A_311 = vector.broadcast %xor3A_310 : vector<512x1xi32> to vector<512x1024xi32>
    %le3A_312 = arith.cmpi sle, %xor3A, %le3A_311 : vector<512x1024xi32>
    %convert_element_type3A_313 = arith.extui %le3A_312 : vector<512x1024xi1> to vector<512x1024xi32>
    %convert_element_type3A_314 = arith.sitofp %convert_element_type3A_313 : vector<512x1024xi32> to vector<512x1024xf32>
    %reduce_sum3A_315 = arith.constant dense<0.000000e+00> : vector<512xf32>
    %reduce_sum3A_316 = vector.multi_reduction <add>, %convert_element_type3A_314, %reduce_sum3A_315 [1] : vector<512x1024xf32> to vector<512xf32>
    %broadcast_in_dim3A_317 = vector.shape_cast %reduce_sum3A_316 : vector<512xf32> to vector<512x1xf32>
    %ge3A_318 = arith.constant 2.000000e+01 : f32
    %ge3A_319 = vector.broadcast %ge3A_318 : f32 to vector<512x1xf32>
    %ge3A_320 = arith.cmpf oge, %broadcast_in_dim3A_305, %ge3A_319 : vector<512x1xf32>
    %select_n3A_321 = arith.select %ge3A_320, %or3A_292, %select_n3A_285 : vector<512x1xi1>, vector<512x1xi32>
    %ge3A_322 = arith.constant 2.000000e+01 : f32
    %ge3A_323 = vector.broadcast %ge3A_322 : f32 to vector<512x1xf32>
    %ge3A_324 = arith.cmpf oge, %broadcast_in_dim3A_317, %ge3A_323 : vector<512x1xf32>
    %select_n3A_325 = arith.select %ge3A_324, %or3A_295, %select_n3A_289 : vector<512x1xi1>, vector<512x1xi32>
    %or3A_326 = arith.constant 4194304 : i32
    %or3A_327 = vector.broadcast %or3A_326 : i32 to vector<512x1xi32>
    %or3A_328 = arith.ori %select_n3A_321, %or3A_327 : vector<512x1xi32>
    %or3A_329 = arith.constant 4194304 : i32
    %or3A_330 = vector.broadcast %or3A_329 : i32 to vector<512x1xi32>
    %or3A_331 = arith.ori %select_n3A_325, %or3A_330 : vector<512x1xi32>
    %xor3A_332 = arith.constant -2147483648 : i32
    %xor3A_333 = vector.broadcast %xor3A_332 : i32 to vector<512x1xi32>
    %xor3A_334 = arith.xori %or3A_328, %xor3A_333 : vector<512x1xi32>
    %ge3A_335 = vector.broadcast %xor3A_334 : vector<512x1xi32> to vector<512x1024xi32>
    %ge3A_336 = arith.cmpi sge, %xor3A, %ge3A_335 : vector<512x1024xi32>
    %convert_element_type3A_337 = arith.extui %ge3A_336 : vector<512x1024xi1> to vector<512x1024xi32>
    %convert_element_type3A_338 = arith.sitofp %convert_element_type3A_337 : vector<512x1024xi32> to vector<512x1024xf32>
    %reduce_sum3A_339 = arith.constant dense<0.000000e+00> : vector<512xf32>
    %reduce_sum3A_340 = vector.multi_reduction <add>, %convert_element_type3A_338, %reduce_sum3A_339 [1] : vector<512x1024xf32> to vector<512xf32>
    %broadcast_in_dim3A_341 = vector.shape_cast %reduce_sum3A_340 : vector<512xf32> to vector<512x1xf32>
    %not3A_342 = arith.constant dense<-1> : vector<512x1xi32>
    %not3A_343 = arith.xori %or3A_331, %not3A_342 : vector<512x1xi32>
    %xor3A_344 = arith.constant -2147483648 : i32
    %xor3A_345 = vector.broadcast %xor3A_344 : i32 to vector<512x1xi32>
    %xor3A_346 = arith.xori %not3A_343, %xor3A_345 : vector<512x1xi32>
    %le3A_347 = vector.broadcast %xor3A_346 : vector<512x1xi32> to vector<512x1024xi32>
    %le3A_348 = arith.cmpi sle, %xor3A, %le3A_347 : vector<512x1024xi32>
    %convert_element_type3A_349 = arith.extui %le3A_348 : vector<512x1024xi1> to vector<512x1024xi32>
    %convert_element_type3A_350 = arith.sitofp %convert_element_type3A_349 : vector<512x1024xi32> to vector<512x1024xf32>
    %reduce_sum3A_351 = arith.constant dense<0.000000e+00> : vector<512xf32>
    %reduce_sum3A_352 = vector.multi_reduction <add>, %convert_element_type3A_350, %reduce_sum3A_351 [1] : vector<512x1024xf32> to vector<512xf32>
    %broadcast_in_dim3A_353 = vector.shape_cast %reduce_sum3A_352 : vector<512xf32> to vector<512x1xf32>
    %ge3A_354 = arith.constant 2.000000e+01 : f32
    %ge3A_355 = vector.broadcast %ge3A_354 : f32 to vector<512x1xf32>
    %ge3A_356 = arith.cmpf oge, %broadcast_in_dim3A_341, %ge3A_355 : vector<512x1xf32>
    %select_n3A_357 = arith.select %ge3A_356, %or3A_328, %select_n3A_321 : vector<512x1xi1>, vector<512x1xi32>
    %ge3A_358 = arith.constant 2.000000e+01 : f32
    %ge3A_359 = vector.broadcast %ge3A_358 : f32 to vector<512x1xf32>
    %ge3A_360 = arith.cmpf oge, %broadcast_in_dim3A_353, %ge3A_359 : vector<512x1xf32>
    %select_n3A_361 = arith.select %ge3A_360, %or3A_331, %select_n3A_325 : vector<512x1xi1>, vector<512x1xi32>
    %or3A_362 = arith.constant 2097152 : i32
    %or3A_363 = vector.broadcast %or3A_362 : i32 to vector<512x1xi32>
    %or3A_364 = arith.ori %select_n3A_357, %or3A_363 : vector<512x1xi32>
    %or3A_365 = arith.constant 2097152 : i32
    %or3A_366 = vector.broadcast %or3A_365 : i32 to vector<512x1xi32>
    %or3A_367 = arith.ori %select_n3A_361, %or3A_366 : vector<512x1xi32>
    %xor3A_368 = arith.constant -2147483648 : i32
    %xor3A_369 = vector.broadcast %xor3A_368 : i32 to vector<512x1xi32>
    %xor3A_370 = arith.xori %or3A_364, %xor3A_369 : vector<512x1xi32>
    %ge3A_371 = vector.broadcast %xor3A_370 : vector<512x1xi32> to vector<512x1024xi32>
    %ge3A_372 = arith.cmpi sge, %xor3A, %ge3A_371 : vector<512x1024xi32>
    %convert_element_type3A_373 = arith.extui %ge3A_372 : vector<512x1024xi1> to vector<512x1024xi32>
    %convert_element_type3A_374 = arith.sitofp %convert_element_type3A_373 : vector<512x1024xi32> to vector<512x1024xf32>
    %reduce_sum3A_375 = arith.constant dense<0.000000e+00> : vector<512xf32>
    %reduce_sum3A_376 = vector.multi_reduction <add>, %convert_element_type3A_374, %reduce_sum3A_375 [1] : vector<512x1024xf32> to vector<512xf32>
    %broadcast_in_dim3A_377 = vector.shape_cast %reduce_sum3A_376 : vector<512xf32> to vector<512x1xf32>
    %not3A_378 = arith.constant dense<-1> : vector<512x1xi32>
    %not3A_379 = arith.xori %or3A_367, %not3A_378 : vector<512x1xi32>
    %xor3A_380 = arith.constant -2147483648 : i32
    %xor3A_381 = vector.broadcast %xor3A_380 : i32 to vector<512x1xi32>
    %xor3A_382 = arith.xori %not3A_379, %xor3A_381 : vector<512x1xi32>
    %le3A_383 = vector.broadcast %xor3A_382 : vector<512x1xi32> to vector<512x1024xi32>
    %le3A_384 = arith.cmpi sle, %xor3A, %le3A_383 : vector<512x1024xi32>
    %convert_element_type3A_385 = arith.extui %le3A_384 : vector<512x1024xi1> to vector<512x1024xi32>
    %convert_element_type3A_386 = arith.sitofp %convert_element_type3A_385 : vector<512x1024xi32> to vector<512x1024xf32>
    %reduce_sum3A_387 = arith.constant dense<0.000000e+00> : vector<512xf32>
    %reduce_sum3A_388 = vector.multi_reduction <add>, %convert_element_type3A_386, %reduce_sum3A_387 [1] : vector<512x1024xf32> to vector<512xf32>
    %broadcast_in_dim3A_389 = vector.shape_cast %reduce_sum3A_388 : vector<512xf32> to vector<512x1xf32>
    %ge3A_390 = arith.constant 2.000000e+01 : f32
    %ge3A_391 = vector.broadcast %ge3A_390 : f32 to vector<512x1xf32>
    %ge3A_392 = arith.cmpf oge, %broadcast_in_dim3A_377, %ge3A_391 : vector<512x1xf32>
    %select_n3A_393 = arith.select %ge3A_392, %or3A_364, %select_n3A_357 : vector<512x1xi1>, vector<512x1xi32>
    %ge3A_394 = arith.constant 2.000000e+01 : f32
    %ge3A_395 = vector.broadcast %ge3A_394 : f32 to vector<512x1xf32>
    %ge3A_396 = arith.cmpf oge, %broadcast_in_dim3A_389, %ge3A_395 : vector<512x1xf32>
    %select_n3A_397 = arith.select %ge3A_396, %or3A_367, %select_n3A_361 : vector<512x1xi1>, vector<512x1xi32>
    %or3A_398 = arith.constant 1048576 : i32
    %or3A_399 = vector.broadcast %or3A_398 : i32 to vector<512x1xi32>
    %or3A_400 = arith.ori %select_n3A_393, %or3A_399 : vector<512x1xi32>
    %or3A_401 = arith.constant 1048576 : i32
    %or3A_402 = vector.broadcast %or3A_401 : i32 to vector<512x1xi32>
    %or3A_403 = arith.ori %select_n3A_397, %or3A_402 : vector<512x1xi32>
    %xor3A_404 = arith.constant -2147483648 : i32
    %xor3A_405 = vector.broadcast %xor3A_404 : i32 to vector<512x1xi32>
    %xor3A_406 = arith.xori %or3A_400, %xor3A_405 : vector<512x1xi32>
    %ge3A_407 = vector.broadcast %xor3A_406 : vector<512x1xi32> to vector<512x1024xi32>
    %ge3A_408 = arith.cmpi sge, %xor3A, %ge3A_407 : vector<512x1024xi32>
    %convert_element_type3A_409 = arith.extui %ge3A_408 : vector<512x1024xi1> to vector<512x1024xi32>
    %convert_element_type3A_410 = arith.sitofp %convert_element_type3A_409 : vector<512x1024xi32> to vector<512x1024xf32>
    %reduce_sum3A_411 = arith.constant dense<0.000000e+00> : vector<512xf32>
    %reduce_sum3A_412 = vector.multi_reduction <add>, %convert_element_type3A_410, %reduce_sum3A_411 [1] : vector<512x1024xf32> to vector<512xf32>
    %broadcast_in_dim3A_413 = vector.shape_cast %reduce_sum3A_412 : vector<512xf32> to vector<512x1xf32>
    %not3A_414 = arith.constant dense<-1> : vector<512x1xi32>
    %not3A_415 = arith.xori %or3A_403, %not3A_414 : vector<512x1xi32>
    %xor3A_416 = arith.constant -2147483648 : i32
    %xor3A_417 = vector.broadcast %xor3A_416 : i32 to vector<512x1xi32>
    %xor3A_418 = arith.xori %not3A_415, %xor3A_417 : vector<512x1xi32>
    %le3A_419 = vector.broadcast %xor3A_418 : vector<512x1xi32> to vector<512x1024xi32>
    %le3A_420 = arith.cmpi sle, %xor3A, %le3A_419 : vector<512x1024xi32>
    %convert_element_type3A_421 = arith.extui %le3A_420 : vector<512x1024xi1> to vector<512x1024xi32>
    %convert_element_type3A_422 = arith.sitofp %convert_element_type3A_421 : vector<512x1024xi32> to vector<512x1024xf32>
    %reduce_sum3A_423 = arith.constant dense<0.000000e+00> : vector<512xf32>
    %reduce_sum3A_424 = vector.multi_reduction <add>, %convert_element_type3A_422, %reduce_sum3A_423 [1] : vector<512x1024xf32> to vector<512xf32>
    %broadcast_in_dim3A_425 = vector.shape_cast %reduce_sum3A_424 : vector<512xf32> to vector<512x1xf32>
    %ge3A_426 = arith.constant 2.000000e+01 : f32
    %ge3A_427 = vector.broadcast %ge3A_426 : f32 to vector<512x1xf32>
    %ge3A_428 = arith.cmpf oge, %broadcast_in_dim3A_413, %ge3A_427 : vector<512x1xf32>
    %select_n3A_429 = arith.select %ge3A_428, %or3A_400, %select_n3A_393 : vector<512x1xi1>, vector<512x1xi32>
    %ge3A_430 = arith.constant 2.000000e+01 : f32
    %ge3A_431 = vector.broadcast %ge3A_430 : f32 to vector<512x1xf32>
    %ge3A_432 = arith.cmpf oge, %broadcast_in_dim3A_425, %ge3A_431 : vector<512x1xf32>
    %select_n3A_433 = arith.select %ge3A_432, %or3A_403, %select_n3A_397 : vector<512x1xi1>, vector<512x1xi32>
    %or3A_434 = arith.constant 524288 : i32
    %or3A_435 = vector.broadcast %or3A_434 : i32 to vector<512x1xi32>
    %or3A_436 = arith.ori %select_n3A_429, %or3A_435 : vector<512x1xi32>
    %or3A_437 = arith.constant 524288 : i32
    %or3A_438 = vector.broadcast %or3A_437 : i32 to vector<512x1xi32>
    %or3A_439 = arith.ori %select_n3A_433, %or3A_438 : vector<512x1xi32>
    %xor3A_440 = arith.constant -2147483648 : i32
    %xor3A_441 = vector.broadcast %xor3A_440 : i32 to vector<512x1xi32>
    %xor3A_442 = arith.xori %or3A_436, %xor3A_441 : vector<512x1xi32>
    %ge3A_443 = vector.broadcast %xor3A_442 : vector<512x1xi32> to vector<512x1024xi32>
    %ge3A_444 = arith.cmpi sge, %xor3A, %ge3A_443 : vector<512x1024xi32>
    %convert_element_type3A_445 = arith.extui %ge3A_444 : vector<512x1024xi1> to vector<512x1024xi32>
    %convert_element_type3A_446 = arith.sitofp %convert_element_type3A_445 : vector<512x1024xi32> to vector<512x1024xf32>
    %reduce_sum3A_447 = arith.constant dense<0.000000e+00> : vector<512xf32>
    %reduce_sum3A_448 = vector.multi_reduction <add>, %convert_element_type3A_446, %reduce_sum3A_447 [1] : vector<512x1024xf32> to vector<512xf32>
    %broadcast_in_dim3A_449 = vector.shape_cast %reduce_sum3A_448 : vector<512xf32> to vector<512x1xf32>
    %not3A_450 = arith.constant dense<-1> : vector<512x1xi32>
    %not3A_451 = arith.xori %or3A_439, %not3A_450 : vector<512x1xi32>
    %xor3A_452 = arith.constant -2147483648 : i32
    %xor3A_453 = vector.broadcast %xor3A_452 : i32 to vector<512x1xi32>
    %xor3A_454 = arith.xori %not3A_451, %xor3A_453 : vector<512x1xi32>
    %le3A_455 = vector.broadcast %xor3A_454 : vector<512x1xi32> to vector<512x1024xi32>
    %le3A_456 = arith.cmpi sle, %xor3A, %le3A_455 : vector<512x1024xi32>
    %convert_element_type3A_457 = arith.extui %le3A_456 : vector<512x1024xi1> to vector<512x1024xi32>
    %convert_element_type3A_458 = arith.sitofp %convert_element_type3A_457 : vector<512x1024xi32> to vector<512x1024xf32>
    %reduce_sum3A_459 = arith.constant dense<0.000000e+00> : vector<512xf32>
    %reduce_sum3A_460 = vector.multi_reduction <add>, %convert_element_type3A_458, %reduce_sum3A_459 [1] : vector<512x1024xf32> to vector<512xf32>
    %broadcast_in_dim3A_461 = vector.shape_cast %reduce_sum3A_460 : vector<512xf32> to vector<512x1xf32>
    %ge3A_462 = arith.constant 2.000000e+01 : f32
    %ge3A_463 = vector.broadcast %ge3A_462 : f32 to vector<512x1xf32>
    %ge3A_464 = arith.cmpf oge, %broadcast_in_dim3A_449, %ge3A_463 : vector<512x1xf32>
    %select_n3A_465 = arith.select %ge3A_464, %or3A_436, %select_n3A_429 : vector<512x1xi1>, vector<512x1xi32>
    %ge3A_466 = arith.constant 2.000000e+01 : f32
    %ge3A_467 = vector.broadcast %ge3A_466 : f32 to vector<512x1xf32>
    %ge3A_468 = arith.cmpf oge, %broadcast_in_dim3A_461, %ge3A_467 : vector<512x1xf32>
    %select_n3A_469 = arith.select %ge3A_468, %or3A_439, %select_n3A_433 : vector<512x1xi1>, vector<512x1xi32>
    %or3A_470 = arith.constant 262144 : i32
    %or3A_471 = vector.broadcast %or3A_470 : i32 to vector<512x1xi32>
    %or3A_472 = arith.ori %select_n3A_465, %or3A_471 : vector<512x1xi32>
    %or3A_473 = arith.constant 262144 : i32
    %or3A_474 = vector.broadcast %or3A_473 : i32 to vector<512x1xi32>
    %or3A_475 = arith.ori %select_n3A_469, %or3A_474 : vector<512x1xi32>
    %xor3A_476 = arith.constant -2147483648 : i32
    %xor3A_477 = vector.broadcast %xor3A_476 : i32 to vector<512x1xi32>
    %xor3A_478 = arith.xori %or3A_472, %xor3A_477 : vector<512x1xi32>
    %ge3A_479 = vector.broadcast %xor3A_478 : vector<512x1xi32> to vector<512x1024xi32>
    %ge3A_480 = arith.cmpi sge, %xor3A, %ge3A_479 : vector<512x1024xi32>
    %convert_element_type3A_481 = arith.extui %ge3A_480 : vector<512x1024xi1> to vector<512x1024xi32>
    %convert_element_type3A_482 = arith.sitofp %convert_element_type3A_481 : vector<512x1024xi32> to vector<512x1024xf32>
    %reduce_sum3A_483 = arith.constant dense<0.000000e+00> : vector<512xf32>
    %reduce_sum3A_484 = vector.multi_reduction <add>, %convert_element_type3A_482, %reduce_sum3A_483 [1] : vector<512x1024xf32> to vector<512xf32>
    %broadcast_in_dim3A_485 = vector.shape_cast %reduce_sum3A_484 : vector<512xf32> to vector<512x1xf32>
    %not3A_486 = arith.constant dense<-1> : vector<512x1xi32>
    %not3A_487 = arith.xori %or3A_475, %not3A_486 : vector<512x1xi32>
    %xor3A_488 = arith.constant -2147483648 : i32
    %xor3A_489 = vector.broadcast %xor3A_488 : i32 to vector<512x1xi32>
    %xor3A_490 = arith.xori %not3A_487, %xor3A_489 : vector<512x1xi32>
    %le3A_491 = vector.broadcast %xor3A_490 : vector<512x1xi32> to vector<512x1024xi32>
    %le3A_492 = arith.cmpi sle, %xor3A, %le3A_491 : vector<512x1024xi32>
    %convert_element_type3A_493 = arith.extui %le3A_492 : vector<512x1024xi1> to vector<512x1024xi32>
    %convert_element_type3A_494 = arith.sitofp %convert_element_type3A_493 : vector<512x1024xi32> to vector<512x1024xf32>
    %reduce_sum3A_495 = arith.constant dense<0.000000e+00> : vector<512xf32>
    %reduce_sum3A_496 = vector.multi_reduction <add>, %convert_element_type3A_494, %reduce_sum3A_495 [1] : vector<512x1024xf32> to vector<512xf32>
    %broadcast_in_dim3A_497 = vector.shape_cast %reduce_sum3A_496 : vector<512xf32> to vector<512x1xf32>
    %ge3A_498 = arith.constant 2.000000e+01 : f32
    %ge3A_499 = vector.broadcast %ge3A_498 : f32 to vector<512x1xf32>
    %ge3A_500 = arith.cmpf oge, %broadcast_in_dim3A_485, %ge3A_499 : vector<512x1xf32>
    %select_n3A_501 = arith.select %ge3A_500, %or3A_472, %select_n3A_465 : vector<512x1xi1>, vector<512x1xi32>
    %ge3A_502 = arith.constant 2.000000e+01 : f32
    %ge3A_503 = vector.broadcast %ge3A_502 : f32 to vector<512x1xf32>
    %ge3A_504 = arith.cmpf oge, %broadcast_in_dim3A_497, %ge3A_503 : vector<512x1xf32>
    %select_n3A_505 = arith.select %ge3A_504, %or3A_475, %select_n3A_469 : vector<512x1xi1>, vector<512x1xi32>
    %or3A_506 = arith.constant 131072 : i32
    %or3A_507 = vector.broadcast %or3A_506 : i32 to vector<512x1xi32>
    %or3A_508 = arith.ori %select_n3A_501, %or3A_507 : vector<512x1xi32>
    %or3A_509 = arith.constant 131072 : i32
    %or3A_510 = vector.broadcast %or3A_509 : i32 to vector<512x1xi32>
    %or3A_511 = arith.ori %select_n3A_505, %or3A_510 : vector<512x1xi32>
    %xor3A_512 = arith.constant -2147483648 : i32
    %xor3A_513 = vector.broadcast %xor3A_512 : i32 to vector<512x1xi32>
    %xor3A_514 = arith.xori %or3A_508, %xor3A_513 : vector<512x1xi32>
    %ge3A_515 = vector.broadcast %xor3A_514 : vector<512x1xi32> to vector<512x1024xi32>
    %ge3A_516 = arith.cmpi sge, %xor3A, %ge3A_515 : vector<512x1024xi32>
    %convert_element_type3A_517 = arith.extui %ge3A_516 : vector<512x1024xi1> to vector<512x1024xi32>
    %convert_element_type3A_518 = arith.sitofp %convert_element_type3A_517 : vector<512x1024xi32> to vector<512x1024xf32>
    %reduce_sum3A_519 = arith.constant dense<0.000000e+00> : vector<512xf32>
    %reduce_sum3A_520 = vector.multi_reduction <add>, %convert_element_type3A_518, %reduce_sum3A_519 [1] : vector<512x1024xf32> to vector<512xf32>
    %broadcast_in_dim3A_521 = vector.shape_cast %reduce_sum3A_520 : vector<512xf32> to vector<512x1xf32>
    %not3A_522 = arith.constant dense<-1> : vector<512x1xi32>
    %not3A_523 = arith.xori %or3A_511, %not3A_522 : vector<512x1xi32>
    %xor3A_524 = arith.constant -2147483648 : i32
    %xor3A_525 = vector.broadcast %xor3A_524 : i32 to vector<512x1xi32>
    %xor3A_526 = arith.xori %not3A_523, %xor3A_525 : vector<512x1xi32>
    %le3A_527 = vector.broadcast %xor3A_526 : vector<512x1xi32> to vector<512x1024xi32>
    %le3A_528 = arith.cmpi sle, %xor3A, %le3A_527 : vector<512x1024xi32>
    %convert_element_type3A_529 = arith.extui %le3A_528 : vector<512x1024xi1> to vector<512x1024xi32>
    %convert_element_type3A_530 = arith.sitofp %convert_element_type3A_529 : vector<512x1024xi32> to vector<512x1024xf32>
    %reduce_sum3A_531 = arith.constant dense<0.000000e+00> : vector<512xf32>
    %reduce_sum3A_532 = vector.multi_reduction <add>, %convert_element_type3A_530, %reduce_sum3A_531 [1] : vector<512x1024xf32> to vector<512xf32>
    %broadcast_in_dim3A_533 = vector.shape_cast %reduce_sum3A_532 : vector<512xf32> to vector<512x1xf32>
    %ge3A_534 = arith.constant 2.000000e+01 : f32
    %ge3A_535 = vector.broadcast %ge3A_534 : f32 to vector<512x1xf32>
    %ge3A_536 = arith.cmpf oge, %broadcast_in_dim3A_521, %ge3A_535 : vector<512x1xf32>
    %select_n3A_537 = arith.select %ge3A_536, %or3A_508, %select_n3A_501 : vector<512x1xi1>, vector<512x1xi32>
    %ge3A_538 = arith.constant 2.000000e+01 : f32
    %ge3A_539 = vector.broadcast %ge3A_538 : f32 to vector<512x1xf32>
    %ge3A_540 = arith.cmpf oge, %broadcast_in_dim3A_533, %ge3A_539 : vector<512x1xf32>
    %select_n3A_541 = arith.select %ge3A_540, %or3A_511, %select_n3A_505 : vector<512x1xi1>, vector<512x1xi32>
    %or3A_542 = arith.constant 65536 : i32
    %or3A_543 = vector.broadcast %or3A_542 : i32 to vector<512x1xi32>
    %or3A_544 = arith.ori %select_n3A_537, %or3A_543 : vector<512x1xi32>
    %or3A_545 = arith.constant 65536 : i32
    %or3A_546 = vector.broadcast %or3A_545 : i32 to vector<512x1xi32>
    %or3A_547 = arith.ori %select_n3A_541, %or3A_546 : vector<512x1xi32>
    %xor3A_548 = arith.constant -2147483648 : i32
    %xor3A_549 = vector.broadcast %xor3A_548 : i32 to vector<512x1xi32>
    %xor3A_550 = arith.xori %or3A_544, %xor3A_549 : vector<512x1xi32>
    %ge3A_551 = vector.broadcast %xor3A_550 : vector<512x1xi32> to vector<512x1024xi32>
    %ge3A_552 = arith.cmpi sge, %xor3A, %ge3A_551 : vector<512x1024xi32>
    %convert_element_type3A_553 = arith.extui %ge3A_552 : vector<512x1024xi1> to vector<512x1024xi32>
    %convert_element_type3A_554 = arith.sitofp %convert_element_type3A_553 : vector<512x1024xi32> to vector<512x1024xf32>
    %reduce_sum3A_555 = arith.constant dense<0.000000e+00> : vector<512xf32>
    %reduce_sum3A_556 = vector.multi_reduction <add>, %convert_element_type3A_554, %reduce_sum3A_555 [1] : vector<512x1024xf32> to vector<512xf32>
    %broadcast_in_dim3A_557 = vector.shape_cast %reduce_sum3A_556 : vector<512xf32> to vector<512x1xf32>
    %not3A_558 = arith.constant dense<-1> : vector<512x1xi32>
    %not3A_559 = arith.xori %or3A_547, %not3A_558 : vector<512x1xi32>
    %xor3A_560 = arith.constant -2147483648 : i32
    %xor3A_561 = vector.broadcast %xor3A_560 : i32 to vector<512x1xi32>
    %xor3A_562 = arith.xori %not3A_559, %xor3A_561 : vector<512x1xi32>
    %le3A_563 = vector.broadcast %xor3A_562 : vector<512x1xi32> to vector<512x1024xi32>
    %le3A_564 = arith.cmpi sle, %xor3A, %le3A_563 : vector<512x1024xi32>
    %convert_element_type3A_565 = arith.extui %le3A_564 : vector<512x1024xi1> to vector<512x1024xi32>
    %convert_element_type3A_566 = arith.sitofp %convert_element_type3A_565 : vector<512x1024xi32> to vector<512x1024xf32>
    %reduce_sum3A_567 = arith.constant dense<0.000000e+00> : vector<512xf32>
    %reduce_sum3A_568 = vector.multi_reduction <add>, %convert_element_type3A_566, %reduce_sum3A_567 [1] : vector<512x1024xf32> to vector<512xf32>
    %broadcast_in_dim3A_569 = vector.shape_cast %reduce_sum3A_568 : vector<512xf32> to vector<512x1xf32>
    %ge3A_570 = arith.constant 2.000000e+01 : f32
    %ge3A_571 = vector.broadcast %ge3A_570 : f32 to vector<512x1xf32>
    %ge3A_572 = arith.cmpf oge, %broadcast_in_dim3A_557, %ge3A_571 : vector<512x1xf32>
    %select_n3A_573 = arith.select %ge3A_572, %or3A_544, %select_n3A_537 : vector<512x1xi1>, vector<512x1xi32>
    %ge3A_574 = arith.constant 2.000000e+01 : f32
    %ge3A_575 = vector.broadcast %ge3A_574 : f32 to vector<512x1xf32>
    %ge3A_576 = arith.cmpf oge, %broadcast_in_dim3A_569, %ge3A_575 : vector<512x1xf32>
    %select_n3A_577 = arith.select %ge3A_576, %or3A_547, %select_n3A_541 : vector<512x1xi1>, vector<512x1xi32>
    %xor3A_578 = arith.constant -2147483648 : i32
    %xor3A_579 = vector.broadcast %xor3A_578 : i32 to vector<512x1xi32>
    %xor3A_580 = arith.xori %select_n3A_573, %xor3A_579 : vector<512x1xi32>
    %not3A_581 = arith.constant dense<-1> : vector<512x1xi32>
    %not3A_582 = arith.xori %select_n3A_577, %not3A_581 : vector<512x1xi32>
    %xor3A_583 = arith.constant -2147483648 : i32
    %xor3A_584 = vector.broadcast %xor3A_583 : i32 to vector<512x1xi32>
    %xor3A_585 = arith.xori %not3A_582, %xor3A_584 : vector<512x1xi32>
    %gt3A = vector.broadcast %xor3A_580 : vector<512x1xi32> to vector<512x1024xi32>
    %gt3A_586 = arith.cmpi sgt, %xor3A, %gt3A : vector<512x1024xi32>
    %lt3A = vector.broadcast %xor3A_585 : vector<512x1xi32> to vector<512x1024xi32>
    %lt3A_587 = arith.cmpi slt, %xor3A, %lt3A : vector<512x1024xi32>
    %convert_element_type3A_588 = arith.extui %gt3A_586 : vector<512x1024xi1> to vector<512x1024xi32>
    %convert_element_type3A_589 = arith.sitofp %convert_element_type3A_588 : vector<512x1024xi32> to vector<512x1024xf32>
    %reduce_sum3A_590 = arith.constant dense<0.000000e+00> : vector<512xf32>
    %reduce_sum3A_591 = vector.multi_reduction <add>, %convert_element_type3A_589, %reduce_sum3A_590 [1] : vector<512x1024xf32> to vector<512xf32>
    %broadcast_in_dim3A_592 = vector.shape_cast %reduce_sum3A_591 : vector<512xf32> to vector<512x1xf32>
    %convert_element_type3A_593 = arith.extui %lt3A_587 : vector<512x1024xi1> to vector<512x1024xi32>
    %convert_element_type3A_594 = arith.sitofp %convert_element_type3A_593 : vector<512x1024xi32> to vector<512x1024xf32>
    %reduce_sum3A_595 = arith.constant dense<0.000000e+00> : vector<512xf32>
    %reduce_sum3A_596 = vector.multi_reduction <add>, %convert_element_type3A_594, %reduce_sum3A_595 [1] : vector<512x1024xf32> to vector<512xf32>
    %broadcast_in_dim3A_597 = vector.shape_cast %reduce_sum3A_596 : vector<512xf32> to vector<512x1xf32>
    %jit3A = arith.constant 0.000000e+00 : f32
    %broadcast_in_dim3A_598 = vector.broadcast %jit3A : f32 to vector<512x1024xf32>
    %select_n3A_599 = arith.select %gt3A_586, %get3A_1, %broadcast_in_dim3A_598 : vector<512x1024xi1>, vector<512x1024xf32>
    %reduce_sum3A_600 = arith.constant dense<0.000000e+00> : vector<512xf32>
    %reduce_sum3A_601 = vector.multi_reduction <add>, %select_n3A_599, %reduce_sum3A_600 [1] : vector<512x1024xf32> to vector<512xf32>
    %broadcast_in_dim3A_602 = vector.shape_cast %reduce_sum3A_601 : vector<512xf32> to vector<512x1xf32>
    %jit3A_603 = arith.constant 0.000000e+00 : f32
    %broadcast_in_dim3A_604 = vector.broadcast %jit3A_603 : f32 to vector<512x1024xf32>
    %select_n3A_605 = arith.select %lt3A_587, %get3A_1, %broadcast_in_dim3A_604 : vector<512x1024xi1>, vector<512x1024xf32>
    %reduce_sum3A_606 = arith.constant dense<0.000000e+00> : vector<512xf32>
    %reduce_sum3A_607 = vector.multi_reduction <add>, %select_n3A_605, %reduce_sum3A_606 [1] : vector<512x1024xf32> to vector<512xf32>
    %broadcast_in_dim3A_608 = vector.shape_cast %reduce_sum3A_607 : vector<512xf32> to vector<512x1xf32>
    %ge3A_609 = arith.constant 0 : i32
    %ge3A_610 = vector.broadcast %ge3A_609 : i32 to vector<512x1xi32>
    %ge3A_611 = arith.cmpi sge, %xor3A_580, %ge3A_610 : vector<512x1xi32>
    %xor3A_612 = arith.constant 2147483647 : i32
    %xor3A_613 = vector.broadcast %xor3A_612 : i32 to vector<512x1xi32>
    %xor3A_614 = arith.xori %xor3A_580, %xor3A_613 : vector<512x1xi32>
    %select_n3A_615 = arith.select %ge3A_611, %xor3A_580, %xor3A_614 : vector<512x1xi1>, vector<512x1xi32>
    %ge3A_616 = arith.constant 0 : i32
    %ge3A_617 = vector.broadcast %ge3A_616 : i32 to vector<512x1xi32>
    %ge3A_618 = arith.cmpi sge, %xor3A_585, %ge3A_617 : vector<512x1xi32>
    %xor3A_619 = arith.constant 2147483647 : i32
    %xor3A_620 = vector.broadcast %xor3A_619 : i32 to vector<512x1xi32>
    %xor3A_621 = arith.xori %xor3A_585, %xor3A_620 : vector<512x1xi32>
    %select_n3A_622 = arith.select %ge3A_618, %xor3A_585, %xor3A_621 : vector<512x1xi1>, vector<512x1xi32>
    %bitcast_convert_type3A_623 = tpu.bitcast %select_n3A_615 : vector<512x1xi32> -> vector<512x1xf32>
    %bitcast_convert_type3A_624 = tpu.bitcast %select_n3A_622 : vector<512x1xi32> -> vector<512x1xf32>
    %sub3A = arith.constant 2.000000e+01 : f32
    %sub3A_625 = vector.broadcast %sub3A : f32 to vector<512x1xf32>
    %sub3A_626 = arith.subf %sub3A_625, %broadcast_in_dim3A_592 : vector<512x1xf32>
    %mul3A = arith.mulf %bitcast_convert_type3A_623, %sub3A_626 : vector<512x1xf32>
    %add3A = arith.addf %broadcast_in_dim3A_602, %mul3A : vector<512x1xf32>
    %sub3A_627 = arith.constant 2.000000e+01 : f32
    %sub3A_628 = vector.broadcast %sub3A_627 : f32 to vector<512x1xf32>
    %sub3A_629 = arith.subf %sub3A_628, %broadcast_in_dim3A_597 : vector<512x1xf32>
    %mul3A_630 = arith.mulf %bitcast_convert_type3A_624, %sub3A_629 : vector<512x1xf32>
    %add3A_631 = arith.addf %broadcast_in_dim3A_608, %mul3A_630 : vector<512x1xf32>
    %add3A_632 = arith.addf %add3A, %add3A_631 : vector<512x1xf32>
    %mul3A_633 = arith.constant 2.500000e-02 : f32
    %mul3A_634 = vector.broadcast %mul3A_633 : f32 to vector<512x1xf32>
    %mul3A_635 = arith.mulf %add3A_632, %mul3A_634 : vector<512x1xf32>
    %squeeze3A = vector.shape_cast %mul3A_635 : vector<512x1xf32> to vector<512xf32>
    %swap3A = arith.constant 0 : index
    %swap3A_636 = vector.load %arg2[%swap3A] : memref<512xf32, #tpu.memory_space<vmem>>, vector<512xf32>
    tpu.vector_store %arg2[%swap3A], %squeeze3A {strides = array<i32>} : memref<512xf32, #tpu.memory_space<vmem>>, vector<512xf32>,
    return
  }
  func.func @transform_0(%arg0: i32) -> (i32, i32) {
    %add3A = arith.constant 16 : i32
    %add3A_0 = arith.addi %arg0, %add3A : i32
    %c0_i32 = arith.constant 0 : i32
    %c0_i32_1 = arith.constant 0 : i32
    return %add3A_0, %c0_i32 : i32, i32
  }
  func.func @transform_1(%arg0: i32) -> i32 {
    %c0_i32 = arith.constant 0 : i32
    return %arg0 : i32
  }
}

</mosaic_0001>

<sc_bundles>
// kernel: kernel.4.cloned.1.call-start
scs
__scs_entry_jumppad:
0x0: {  	(pc) =	sbr.rel $0x88, $3  }
0x1: {  	(tag) =	ssettag $0x0;
	lr =	simm.s32 $0x1  }
0x2: {  	[smem:$0x3FA0] =	sst lr;
	_ =	strace $0xD0000000  }
0x3: {  	_ = 	snop  }
0x4: {  	_ = 	snop  }
0x5: {  	_ = 	snop  }
0x6: {  	_ = 	snop  }
0x7: {  	_ = 	snop  }
__scs_overlays_trampoline_lowered:
0x8: {  	[smem:$0x3FAF] =	sst s0  }
0x9: {  	[smem:$0x3FB0] =	sst s1  }
0xa: {  	[smem:$0x3FB1] =	sst s2  }
0xb: {  	[smem:$0x3FB2] =	sst s3  }
0xc: {  	[smem:$0x3FB3] =	sst s4  }
0xd: {  	[smem:$0x3FB4] =	sst s5  }
0xe: {  	[smem:$0x3FB5] =	sst s6  }
0xf: {  	[smem:$0x3FB6] =	sst s7  }
0x10: {  	[smem:$0x3FB7] =	sst s8  }
0x11: {  	[smem:$0x3FB8] =	sst s9;
	s0 =	simm.s32 @!p0 $0x0  }
0x12: {  	s1 =	sld [smem:$0x3F9E];
	s0 =	simm.s32 @p0 $0x1  }
0x13: {  	[smem:$0x3FB9] =	sst s0;
	s0 =	simm.s32 @!p1 $0x0  }
0x14: {  	s2 =	sld [smem:$0x3F9D];
	s0 =	simm.s32 @p1 $0x1  }
0x15: {  	[smem:$0x3FBA] =	sst s0;
	s0 =	simm.s32 @!p2 $0x0  }
0x16: {  	s3 =	sld [smem:$0x3FDB];
	s0 =	simm.s32 @p2 $0x1  }
0x17: {  	s4 =	simm.s32 $0x1BF5;
	[smem:$0x3FBC] =	sst s0  }
0x18: {  	s0 =	sld [smem:$0x3F9F];
	_ =	swait.ge [sflag:s4], $0x0  }
0x19: {  	s7 =	sld [smem:$0x3FA0]  }
0x1a: {  	s8 =	sadd.s32 $0xFFFFE003, lr  }
0x1b: {  	s9 =	sadd.s32 $0xFFFFFEF7, lr;
	s5 =	simm.s32 $0xFFFFFFFF;
	p2 =	slt.u32 s8, $0xFFFFF086  }
0x1c: {  	p1 =	slt.u32 s9, $0xF7A;
	s5 =	simm.s32 @!p2 $0x0  }
0x1d: {  	s5 =	simm.s32 @p1 $0x1;
	p0 =	seq.s32 s7, s2  }
0x1e: {  	s7 =	smul.u32 @!p0 $0xF7A, s2;
	p2 =	seq.s32 @!p0 s5, $0x0  }
0x1f: {  	s9 =	smul.u32 $0xF7A, s1;
	s8 =	simm.s32 @!p0 $0x1BF5;
	p2 =	por !p2, p0  }
0x20: {  	[sflag:s8] =	ssyncset.s32 @!p0 $0xFFFFF086;
	s6 =	sadd.s32 @!p0 s3, s7;
	s7 =	simm.s32 @!p0 $0x108  }
0x21: {  	s3 =	sadd.s32 s3, s9;
	s6 =	sadd.s32 @!p0 $0x88, s6;
	s7 =	simm.s32 @p2 $0x1082  }
0x22: {  	[simem:s7], [sflag:s8] =	dma.local @!p0 [hbm:s6], $0xF7A  }
0x23: {  	s9 =	sor.u32 $0xD0000000, s2;
	s6 =	simm.s32 $0x108;
	_ =	swait.ge @!p0 [sflag:s8], $0x0  }
0x24: {  	s3 =	sadd.s32 $0x88, s3;
	s6 =	simm.s32 @!p1 $0x1082;
	[sflag:s4] =	ssyncset.s32 $0xFFFFF086  }
0x25: {  	[simem:s6], [sflag:s4] =	dma.local [hbm:s3], $0xF7A  }
0x26: {  	[smem:$0x3FA0] =	sst s1;
	(tag) =	ssettag s2;
	_ =	strace s9  }
0x27: {  	s1 =	sld [smem:$0x3FB0]  }
0x28: {  	s2 =	sld [smem:$0x3FB1]  }
0x29: {  	s4 =	sld [smem:$0x3FB3]  }
0x2a: {  	p0 =	seq.s32 s5, $0x0;
	s5 =	sld [smem:$0x3FB4]  }
0x2b: {  	s6 =	sld [smem:$0x3FB5]  }
0x2c: {  	s7 =	sld [smem:$0x3FB6]  }
0x2d: {  	s3 =	simm.s32 $0x108;
	s8 =	sld [smem:$0x3FB7]  }
0x2e: {  	s3 =	simm.s32 @!p0 $0x1082;
	s9 =	sld [smem:$0x3FB8]  }
0x2f: {  	lr =	sadd.s32 s0, s3;
	s0 =	sld [smem:$0x3FAF]  }
0x30: {  	s3 =	sld [smem:$0x3FB2]  }
0x31: {  	[smem:$0x3FBB] =	sst s10  }
0x32: {  	s10 =	sld [smem:$0x3FB9];
	_ =	sdelay $0x3  }
0x33: {  	p0 =	seq.s32 s10, $0x1;
	s10 =	sld [smem:$0x3FBB];
	_ =	sdelay $0x3  }
0x34: {  	[smem:$0x3FBB] =	sst s10  }
0x35: {  	s10 =	sld [smem:$0x3FBA];
	_ =	sdelay $0x3  }
0x36: {  	p1 =	seq.s32 s10, $0x1;
	s10 =	sld [smem:$0x3FBB];
	_ =	sdelay $0x3  }
0x37: {  	[smem:$0x3FBB] =	sst s10  }
0x38: {  	s10 =	sld [smem:$0x3FBC]  }
0x39: {  	_ = 	snop;
	(pc) =	sbr.ind lr, $3  }
0x3a: {  	_ = 	snop  }
0x3b: {  	_ = 	snop  }
0x3c: {  	p2 =	seq.s32 s10, $0x1;
	s10 =	sld [smem:$0x3FBB]  }
0x3d: {  	_ =	shalt  }
0x3e: {  	_ =	shalt  }
0x3f: {  	_ =	shalt  }
0x40: {  	_ =	shalt  }
0x41: {  	_ =	shalt  }
0x42: {  	_ =	shalt  }
0x43: {  	_ =	shalt  }
0x44: {  	_ =	shalt  }
0x45: {  	_ =	shalt  }
0x46: {  	_ =	shalt  }
0x47: {  	_ =	shalt  }
0x48: {  	_ =	shalt  }
0x49: {  	_ =	shalt  }
0x4a: {  	_ =	shalt  }
0x4b: {  	_ =	shalt  }
0x4c: {  	_ =	shalt  }
0x4d: {  	_ =	shalt  }
0x4e: {  	_ =	shalt  }
0x4f: {  	_ =	shalt  }
0x50: {  	_ =	shalt  }
0x51: {  	_ =	shalt  }
0x52: {  	_ =	shalt  }
0x53: {  	_ =	shalt  }
0x54: {  	_ =	shalt  }
0x55: {  	_ =	shalt  }
0x56: {  	_ =	shalt  }
0x57: {  	_ =	shalt  }
0x58: {  	_ =	shalt  }
0x59: {  	_ =	shalt  }
0x5a: {  	_ =	shalt  }
0x5b: {  	_ =	shalt  }
0x5c: {  	_ =	shalt  }
0x5d: {  	_ =	shalt  }
0x5e: {  	_ =	shalt  }
0x5f: {  	_ =	shalt  }
0x60: {  	_ =	shalt  }
0x61: {  	_ =	shalt  }
0x62: {  	_ =	shalt  }
0x63: {  	_ =	shalt  }
0x64: {  	_ =	shalt  }
0x65: {  	_ =	shalt  }
0x66: {  	_ =	shalt  }
0x67: {  	_ =	shalt  }
0x68: {  	_ =	shalt  }
0x69: {  	_ =	shalt  }
0x6a: {  	_ =	shalt  }
0x6b: {  	_ =	shalt  }
0x6c: {  	_ =	shalt  }
0x6d: {  	_ =	shalt  }
0x6e: {  	_ =	shalt  }
0x6f: {  	_ =	shalt  }
0x70: {  	_ =	shalt  }
0x71: {  	_ =	shalt  }
0x72: {  	_ =	shalt  }
0x73: {  	_ =	shalt  }
0x74: {  	_ =	shalt  }
0x75: {  	_ =	shalt  }
0x76: {  	_ =	shalt  }
0x77: {  	_ =	shalt  }
0x78: {  	_ =	shalt  }
0x79: {  	_ =	shalt  }
0x7a: {  	_ =	shalt  }
0x7b: {  	_ =	shalt  }
0x7c: {  	_ =	shalt  }
0x7d: {  	_ =	shalt  }
0x7e: {  	_ =	shalt  }
0x7f: {  	_ =	shalt  }
0x80: {  	_ =	shalt  }
0x81: {  	_ =	shalt  }
0x82: {  	_ =	shalt  }
0x83: {  	_ =	shalt  }
0x84: {  	_ =	shalt  }
0x85: {  	_ =	shalt  }
0x86: {  	_ =	shalt  }
0x87: {  	_ =	shalt  }
.Lfunc_end0:
.L_simem_size_0:
called_computation.1_lowered:
.L_overlay_start_0:
0x88: {  	s2 =	sld [smem:$0x3FD9]  }
0x89: {  	s3 =	sld [smem:$0x3FFE];
	_ =	sdelay $0x1  }
0x8a: {  	s1 =	srdreg.scid  }
0x8b: {  	s0 =	sand.u32 $0x1, s1  }
0x8c: {  	s17 =	sshll.u32 s0, $0xA;
	s2 =	sadd.s32 s3, s2  }
0x8d: {  	s2 =	sadd.s32 s2, s17  }
0x8e: {  	[smem:$0x3FC7] =	sst s2  }
0x8f: {  	_ = 	snop  }
0x90: {  	s2 =	sld [smem:$0x3FD0];
	(tm) =	ssettm $0x1  }
0x91: {  	s18 =	sld [smem:$0x3FFB];
	_ =	sdelay $0x3  }
0x92: {  	_ =	strace s18  }
0x93: {  	s3 =	sld [smem:$0x3FFC];
	_ =	sdelay $0x3  }
0x94: {  	_ =	strace s3  }
0x95: {  	s3 =	sld [smem:$0x3FFD];
	_ =	sdelay $0x3  }
0x96: {  	_ =	strace s3  }
0x97: {  	_ =	strace $0x8FFFFFFF  }
0x98: {  	s19 =	sld [smem:$0x3FDB];
	_ =	sdelay $0x1  }
0x99: {  	s4 =	simm.s32 $_scs_section_size  }
0x9a: {  	s5 =	simm.s32 $_size__tile_overlayer_lowered;
	s6 =	simm.s32 $_tile_overlayer_lowered  }
0x9b: {  	s22 =	simm.s32 $0x1BFF;
	s21 =	sshll.u32 s6, $0x1;
	s3 =	sadd.s32 s4, s19  }
0x9c: {  	s7 =	simm.s32 $0x0;
	s20 =	sshll.u32 s5, $0x1;
	s5 =	sadd.s32 s21, s3  }
0x9d: {  	[timem:s7], [sflag:s22] =	dma.local [hbm:s5], s20  }
0x9e: {  	_ =	swait.ge [sflag:s22], s20  }
0x9f: {  	s4 =	ssub.s32 $0x0, s20;
	[sflag:s22] =	ssyncset.done $0x0  }
0xa0: {  	[sflag:s22] =	ssyncadd.s32 s4;
	_ =	sdelay $0x1  }
0xa1: {  	s23 =	simm.s32 $0x1B8B  }
0xa2: {  	_ =	swait.ge [sflag:s23], $0x1  }
0xa3: {  	[sflag:s23] =	ssyncset.done $0x0  }
0xa4: {  	s25 =	simm.s32 $0x1B8E;
	s24 =	sld [smem:$0x3FFE];
	[sflag:s23] =	ssyncadd.s32 $0xFFFFFFFF  }
0xa5: {  	s26 =	simm.s32 $execute0_lowered;
	[smem:$0x3FD2] =	sst s25  }
0xa6: {  	s5 =	sshll.u32 s26, $0x1;
	_ =	strace $0x80000049;
	[dreg:$0x1] =	wrdreg $0xFFFFFFFF  }
0xa7: {  	s28 =	simm.s32 $_size_execute0_lowered;
	s3 =	sadd.s32 s3, s5;
	[dreg:$0x0] =	wrdreg $0x0  }
0xa8: {  	s5 =	sshll.u32 s28, $0x1;
	[dreg:$0x2] =	wrdreg s3  }
0xa9: {  	[dreg:$0x3] =	wrdreg s5  }
0xaa: {  	[dreg:$0x4] =	wrdreg $0xC0  }
0xab: {  	_ =	task [dreg:s7], $0x5FFFF  }
0xac: {  	[dreg:$0x1] =	wrdreg $0xFFFFFFFF  }
0xad: {  	[dreg:$0x0] =	wrdreg $0x60  }
0xae: {  	[dreg:$0x2] =	wrdreg s24  }
0xaf: {  	[dreg:$0x3] =	wrdreg s2  }
0xb0: {  	[dreg:$0x4] =	wrdreg $0x9  }
0xb1: {  	_ =	task.clear_ibuf [dreg:s7], $0x5FFFF;
	_ =	strace $0x90000049  }
0xb2: {  	s29 =	simm.s32 $0x9;
	_ =	strace $0x8000004B  }
0xb3: {  	_ =	swait.ge [sflag:s29], $0x1  }
0xb4: {  	[sflag:s29] =	ssyncadd.s32 $0xFFFFFFFF  }
0xb5: {  	_ =	strace $0x9000004B  }
0xb6: {  	_ =	sfence  }
0xb7: {  	s30 =	sld [smem:$0x0];
	_ =	sdelay $0x2  }
0xb8: {  	s31 =	sshll.u32 s1, $0xD;
	s1 =	sshrl.u32 s1, $0x2  }
0xb9: {  	s3 =	sand.u32 $0x4000, s31;
	s1 =	sadd.s32 s1, s30  }
0xba: {  	s0 =	sor.u32 s3, s0;
	s1 =	sshll.u32 s1, $0x11  }
0xbb: {  	s0 =	sor.u32 s1, s0  }
0xbc: {  	s0 =	sadd.s32 $0x8F2B, s0  }
0xbd: {  	[sflag:s0] =	ssyncadd.remote.s32 $0x1  }
0xbe: {  	_ =	sfence.sel $0xFFFF  }
0xbf: {  	[dreg:$0x0] =	wrdreg $0xFFFFFFFF;
	(pc) =	sbr.abs _section_cstart, $3  }
0xc0: {  	[dreg:$0x1] =	wrdreg $0xFFFFFFFF  }
0xc1: {  	_ =	task.clear_ibuf [dreg:s7], $0x2FFFF;
	_ =	strace $0x9FFFFFFF  }
0xc2: {  	(tm) =	ssettm $0x7FFFFFFF  }
0xc3: {  	_ =	shalt  }
tec
execute0_lowered:
.L_overlay_start_1:
0x0: {  	(tag) =	ssettag $0x1  }
0x1: {  	s3 =	rddreg [dreg:$0x0]  }
0x2: {  	s4 =	rddreg [dreg:$0x1]  }
0x3: {  	s0 =	rddreg [dreg:$0x2]  }
0x4: {  	s5 =	srdreg.scid;
	s1 =	stileid.u32  }
0x5: {  	s2 =	simm.s32 $0x0;
	s8 =	simm.s32 $0x8480;
	s9 =	simm.s32 $0x8900  }
0x6: {  	s10 =	simm.s32 $0x0;
	s5 =	sand.u32 $0x1, s5;
	s6 =	sshll.u32 s1, $0x1  }
.Ltmp0:
0x7: {  	[smem:$0x7FF] =	sst s2;
	s6 =	sor.u32 s5, s6;
	(pc) =	sbr.rel .LBB2_1-.Ltmp0, $4  }
0x8: {  	v0 =	vlaneseq.u32;
	_ =	strace $0x8000004A;
	s5 =	ssub.s32 $0x2, s5;
	s7 =	sshll.u32 s6, $0xF  }
0x9: {  	vm0 =	vmmov $0xfff;
	vm1 =	vmmov $0xf;
	v1 =	vmul.u32 $0xFFFFFFFF, v0;
	s31 =	sshrl.u32 s5, $0x1;
	s6 =	sshll.u32 s6, $0x5;
	s3 =	sadd.s32 s7, s3  }
0xa: {  	v4 =	vimm.f32 $0.0e+00;
	vm2 =	vcmask $0xF00;
	v2 =	vimm.s32 $0x0;
	s5 =	ssub.s32 s5, s31;
	s4 =	sadd.s32 s4, s6;
	s6 =	simm.s32 $0x1  }
0xb: {  	v3 =	vimm.f32 $+Inf;
	v4 =	vsel vm2, $0x7F800000, v4;
	v1 =	vadd.s32 $0xF, v1;
	s7 =	simm.s32 $0x8000;
	s3 =	sadd.s32 $0x800, s3;
	s5 =	smax.u32 s5, $0x1  }
.LBB2_27:
0xc: {  	s10 =	sadd.s32 $0x1, s10  }
0xd: {  	p0 =	sne.s32 s10, s5  }
.Ltmp1:
0xe: {  	_ = 	snop;
	(pc) =	sbr.rel @!p0 .LBB2_28-.Ltmp1, $4  }
0xf: {  	[hbm4b:s4+s2] =	stream.linear.scatter [tilespmem:s9], [sflag:$0x1], $0x100, $0x38;
	[tilespmem:$0x8A00] =	vst v63  }
0x10: {  	_ =	swait.ge [sflag:s6], $0x100  }
0x11: {  	[sflag:s6] =	ssyncset.done $0x0  }
0x12: {  	[sflag:s6] =	ssyncadd.s32 $0xFFFFFF00  }
.LBB2_1:
.Ltmp2:
0x13: {  	(pc) =	sbr.rel .LBB2_2-.Ltmp2, $2  }
0x14: {  	_ =	sdelay $0x2  }
0x15: {  	s11 =	simm.s32 $0x0  }
.LBB2_26:
0x16: {  	s11 =	sadd.s32 $0x1, s11  }
0x17: {  	p0 =	sne.s32 s11, $0x8  }
.Ltmp3:
0x18: {  	_ = 	snop;
	(pc) =	sbr.rel @!p0 .LBB2_27-.Ltmp3, $1  }
0x19: {  	_ =	sdelay $0x3  }
.LBB2_2:
0x1a: {  	s12 =	sshll.u32 s11, $0xC;
	s31 =	sshll.u32 s11, $0x5  }
.Ltmp4:
0x1b: {  	s13 =	sadd.s32 s12, s3;
	s12 =	simm.s32 $0x0;
	(pc) =	sbr.rel .LBB2_3-.Ltmp4, $4  }
0x1c: {  	[tilespmem:s12], [sflag:$0x1] =	stream.linear.gather [hbm4b:s13+s12], $0x8000, $0x38;
	[tilespmem:$0x8A00] =	vst v63  }
0x1d: {  	s13 =	sand.u32 $0x3FFFFFE0, s31;
	_ =	swait.ge [sflag:s6], $0x8000  }
0x1e: {  	s13 =	sadd.s32 $0x8900, s13;
	[sflag:s6] =	ssyncset.done $0x0  }
0x1f: {  	p1 =	por $0x1, $0x1;
	v5 =	vmov s13;
	[sflag:s6] =	ssyncadd.s32 $0xFFFF8000  }
.LBB2_25:
.Ltmp5:
0x20: {  	_ = 	snop;
	(pc) =	sbr.rel @!p0 .LBB2_26-.Ltmp5, $4  }
0x21: {  	_ = 	snop  }
0x22: {  	s12 =	sshll.u32 s12, $0x4  }
0x23: {  	s12 =	sand.u32 $0x3FFFFFF0, s12  }
0x24: {  	p1 =	por $0x0, $0x0;
	[tilespmem:v5+s12+$0x0 ss:$0x1] =	vst.idx.msk $0xffff, v6;
	s12 =	simm.s32 $0x1  }
.LBB2_3:
.Ltmp6:
0x25: {  	(pc) =	sbr.rel .LBB2_4-.Ltmp6, $2  }
0x26: {  	_ =	sdelay $0x2  }
0x27: {  	p0 =	por p1, p1;
	s13 =	sshll.u32 s12, $0xE;
	v6 =	vimm.f32 $0.0e+00;
	s14 =	simm.s32 $0x0  }
.LBB2_16:
0x28: {  	v8 =	vmov v4  }
.LBB2_24:
0x29: {  	(xrf2) =	vadd.scan.msk.f32 $0xffff, v7  }
0x2a: {  	(xrf2) =	vadd.scan.msk.f32 $0xffff, v8;
	_ =	sdelay $0x8  }
0x2b: {  	v7, _, _ =	vpop (xrf2)  }
0x2c: {  	(v2sf) =	vpush v7, $0xF;
	v7, _, _ =	vpop (xrf2)  }
0x2d: {  	(v2sf) =	vpush v7, $0xF;
	_ =	sdelay $0xd  }
0x2e: {  	s17 =	spop (v2sf)  }
0x2f: {  	s15 =	sadd.f32 s16, s15;
	s31 =	spop (v2sf)  }
0x30: {  	v7 =	vmov s14;
	s14 =	sadd.s32 $0x1, s14;
	s16 =	sadd.f32 s31, s17  }
0x31: {  	p1 =	sne.s32 s14, $0x10  }
.Ltmp7:
0x32: {  	s15 =	sadd.f32 s16, s15;
	(pc) =	sbr.rel @!p1 .LBB2_25-.Ltmp7, $4  }
0x33: {  	_ = 	snop  }
0x34: {  	s15 =	smul.f32 $2.500000040e-02, s15  }
0x35: {  	vm2 =	veq.s32 v7, v0  }
0x36: {  	v6 =	vsel vm2, s15, v6  }
.LBB2_4:
0x37: {  	s15 =	sshll.u32 s14, $0xA  }
0x38: {  	s16 =	sshll.u32 s14, $0x7;
	s15 =	sadd.s32 s15, s13  }
0x39: {  	s16 =	sand.u32 $0x380, s16;
	s15 =	sand.u32 $0x6000, s15  }
0x3a: {  	s17 =	sor.u32 s16, s15  }
0x3b: {  	v7 =	vld [tilespmem:s17+$0x0]  }
0x3c: {  	v8 =	vld [tilespmem:s17+$0x1000]  }
0x3d: {  	v9 =	vld [tilespmem:s17+$0x10]  }
0x3e: {  	v10 =	vld [tilespmem:s17+$0x1010]  }
0x3f: {  	v11 =	vld [tilespmem:s17+$0x20]  }
0x40: {  	v12 =	vld [tilespmem:s17+$0x1020]  }
0x41: {  	v13 =	vld [tilespmem:s17+$0x30]  }
0x42: {  	v14 =	vld [tilespmem:s17+$0x1030]  }
0x43: {  	v15 =	vld [tilespmem:s17+$0x40]  }
0x44: {  	v16 =	vld [tilespmem:s17+$0x1040]  }
0x45: {  	v17 =	vld [tilespmem:s17+$0x50]  }
0x46: {  	v18 =	vld [tilespmem:s17+$0x1050]  }
0x47: {  	v19 =	vld [tilespmem:s17+$0x60]  }
0x48: {  	v20 =	vld [tilespmem:s17+$0x1060]  }
0x49: {  	v21 =	vld [tilespmem:s17+$0x70]  }
0x4a: {  	v22 =	vld [tilespmem:s17+$0x1070]  }
0x4b: {  	v23 =	vld [tilespmem:s17+$0x400]  }
0x4c: {  	v24 =	vld [tilespmem:s17+$0x1400]  }
0x4d: {  	v25 =	vld [tilespmem:s17+$0x410]  }
0x4e: {  	v26 =	vld [tilespmem:s17+$0x1410]  }
0x4f: {  	v27 =	vld [tilespmem:s17+$0x420]  }
0x50: {  	v28 =	vld [tilespmem:s17+$0x1420]  }
0x51: {  	v29 =	vld [tilespmem:s17+$0x430]  }
0x52: {  	v30 =	vld [tilespmem:s17+$0x1430]  }
0x53: {  	v31 =	vld [tilespmem:s17+$0x440]  }
0x54: {  	v32 =	vld [tilespmem:s17+$0x1440]  }
0x55: {  	v33 =	vld [tilespmem:s17+$0x450]  }
0x56: {  	v34 =	vld [tilespmem:s17+$0x1450]  }
0x57: {  	v35 =	vld [tilespmem:s17+$0x460]  }
0x58: {  	v36 =	vld [tilespmem:s17+$0x1460]  }
0x59: {  	v37 =	vld [tilespmem:s17+$0x470]  }
0x5a: {  	v38 =	vld [tilespmem:s17+$0x1470]  }
0x5b: {  	v39 =	vld [tilespmem:s17+$0x800]  }
0x5c: {  	v40 =	vld [tilespmem:s17+$0x1800]  }
0x5d: {  	v41 =	vld [tilespmem:s17+$0x810]  }
0x5e: {  	v42 =	vld [tilespmem:s17+$0x1810]  }
0x5f: {  	v43 =	vld [tilespmem:s17+$0x820]  }
0x60: {  	v45 =	vld [tilespmem:s17+$0x1820];
	v44 =	vmax.f32 v7, v9  }
0x61: {  	v47 =	vld [tilespmem:s17+$0x830];
	v46 =	vmax.f32 v8, v10;
	v44 =	vmax.f32 v44, v11  }
0x62: {  	v48 =	vld [tilespmem:s17+$0x1830];
	v46 =	vmax.f32 v46, v12;
	v44 =	vmax.f32 v44, v13  }
0x63: {  	v49 =	vld [tilespmem:s17+$0x840];
	v46 =	vmax.f32 v46, v14;
	v44 =	vmax.f32 v44, v15  }
0x64: {  	v50 =	vld [tilespmem:s17+$0x1840];
	v46 =	vmax.f32 v46, v16;
	v44 =	vmax.f32 v44, v17  }
0x65: {  	v51 =	vld [tilespmem:s17+$0x850];
	v46 =	vmax.f32 v46, v18;
	v44 =	vmax.f32 v44, v19  }
0x66: {  	v52 =	vld [tilespmem:s17+$0x1850];
	v46 =	vmax.f32 v46, v20;
	v44 =	vmax.f32 v44, v21  }
0x67: {  	v53 =	vld [tilespmem:s17+$0x860];
	v46 =	vmax.f32 v46, v22;
	v44 =	vmax.f32 v44, v23  }
0x68: {  	v54 =	vld [tilespmem:s17+$0x1860];
	v46 =	vmax.f32 v46, v24;
	v44 =	vmax.f32 v44, v25  }
0x69: {  	v55 =	vld [tilespmem:s17+$0x1C30];
	v7 =	vmin.f32 v7, v9;
	v9 =	vmax.f32 v46, v26;
	v44 =	vmax.f32 v44, v27  }
0x6a: {  	v56 =	vld [tilespmem:s17+$0xC40];
	v8 =	vmin.f32 v8, v10;
	v9 =	vmax.f32 v9, v28;
	v10 =	vmax.f32 v44, v29  }
0x6b: {  	v57 =	vld [tilespmem:s17+$0x1C40];
	v7 =	vmin.f32 v7, v11;
	v9 =	vmax.f32 v9, v30;
	v10 =	vmax.f32 v10, v31  }
0x6c: {  	v58 =	vld [tilespmem:s17+$0xC50];
	v8 =	vmin.f32 v8, v12;
	v9 =	vmax.f32 v9, v32;
	v10 =	vmax.f32 v10, v33  }
0x6d: {  	v11 =	vld [tilespmem:s17+$0xC00];
	v7 =	vmin.f32 v7, v13;
	v9 =	vmax.f32 v9, v34;
	v10 =	vmax.f32 v10, v35  }
0x6e: {  	v12 =	vld [tilespmem:s17+$0x1C00];
	v8 =	vmin.f32 v8, v14;
	v9 =	vmax.f32 v9, v36;
	v10 =	vmax.f32 v10, v37  }
0x6f: {  	v13 =	vld [tilespmem:s17+$0xC10];
	v7 =	vmin.f32 v7, v15;
	v9 =	vmax.f32 v9, v38;
	v10 =	vmax.f32 v10, v39  }
0x70: {  	v14 =	vld [tilespmem:s17+$0x1C10];
	v8 =	vmin.f32 v8, v16;
	v9 =	vmax.f32 v9, v40;
	v10 =	vmax.f32 v10, v41  }
0x71: {  	v7 =	vmin.f32 v7, v17;
	v46 =	vld [tilespmem:s17+$0x870];
	v9 =	vmax.f32 v9, v42;
	v10 =	vmax.f32 v10, v43  }
0x72: {  	v8 =	vmin.f32 v8, v18;
	v44 =	vld [tilespmem:s17+$0x1870];
	v9 =	vmax.f32 v9, v45;
	v10 =	vmax.f32 v10, v47  }
0x73: {  	v15 =	vld [tilespmem:s17+$0xC20];
	v7 =	vmin.f32 v7, v19;
	v9 =	vmax.f32 v9, v48;
	v10 =	vmax.f32 v10, v49  }
0x74: {  	v16 =	vld [tilespmem:s17+$0x1C20];
	v8 =	vmin.f32 v8, v20;
	v9 =	vmax.f32 v9, v50;
	v10 =	vmax.f32 v10, v51  }
0x75: {  	v17 =	vld [tilespmem:s17+$0xC30];
	v7 =	vmin.f32 v7, v21;
	v9 =	vmax.f32 v9, v52;
	v10 =	vmax.f32 v10, v53  }
0x76: {  	v59 =	vld [tilespmem:s17+$0x1C50];
	v8 =	vmin.f32 v8, v22;
	v9 =	vmax.f32 v9, v54;
	v10 =	vmax.f32 v10, v46  }
0x77: {  	v60 =	vld [tilespmem:s17+$0xC60];
	v7 =	vmin.f32 v7, v23;
	v9 =	vmax.f32 v9, v44;
	v10 =	vmax.f32 v10, v11  }
0x78: {  	v61 =	vld [tilespmem:s17+$0x1C60];
	v8 =	vmin.f32 v8, v24;
	v9 =	vmax.f32 v9, v12;
	v10 =	vmax.f32 v10, v13  }
0x79: {  	v62 =	vld [tilespmem:s17+$0xC70];
	v7 =	vmin.f32 v7, v25;
	v9 =	vmax.f32 v9, v14;
	v10 =	vmax.f32 v10, v15  }
0x7a: {  	v63 =	vld [tilespmem:s17+$0x1C70];
	v8 =	vmin.f32 v8, v26;
	v9 =	vmax.f32 v9, v16;
	v10 =	vmax.f32 v10, v17  }
0x7b: {  	v7 =	vmin.f32 v7, v27;
	v9 =	vmax.f32 v9, v55;
	v10 =	vmax.f32 v10, v56  }
0x7c: {  	v8 =	vmin.f32 v8, v28;
	v9 =	vmax.f32 v9, v57;
	v10 =	vmax.f32 v10, v58  }
0x7d: {  	v7 =	vmin.f32 v7, v29;
	v9 =	vmax.f32 v9, v59;
	v10 =	vmax.f32 v10, v60  }
0x7e: {  	v8 =	vmin.f32 v8, v30;
	v9 =	vmax.f32 v9, v61;
	v10 =	vmax.f32 v10, v62  }
0x7f: {  	v7 =	vmin.f32 v7, v31;
	v9 =	vmax.f32 v9, v63;
	(xrf1) =	vsort.ascd.msk.f32 $0xffff, v10, v10  }
0x80: {  	v8 =	vmin.f32 v8, v32;
	v7 =	vmin.f32 v7, v33;
	(xrf1) =	vsort.ascd.msk.f32 $0xffff, v9, v9  }
0x81: {  	v8 =	vmin.f32 v8, v34;
	v7 =	vmin.f32 v7, v35  }
0x82: {  	v8 =	vmin.f32 v8, v36;
	v7 =	vmin.f32 v7, v37  }
0x83: {  	v8 =	vmin.f32 v8, v38;
	v7 =	vmin.f32 v7, v39  }
0x84: {  	v8 =	vmin.f32 v8, v40;
	v7 =	vmin.f32 v7, v41  }
0x85: {  	v8 =	vmin.f32 v8, v42;
	v7 =	vmin.f32 v7, v43  }
0x86: {  	v8 =	vmin.f32 v8, v45;
	v7 =	vmin.f32 v7, v47  }
0x87: {  	v8 =	vmin.f32 v8, v48;
	v7 =	vmin.f32 v7, v49  }
0x88: {  	v8 =	vmin.f32 v8, v50;
	v7 =	vmin.f32 v7, v51  }
0x89: {  	v8 =	vmin.f32 v8, v52;
	v7 =	vmin.f32 v7, v53  }
0x8a: {  	v8 =	vmin.f32 v8, v54;
	v7 =	vmin.f32 v7, v46  }
0x8b: {  	v8 =	vmin.f32 v8, v44;
	v7 =	vmin.f32 v7, v11  }
0x8c: {  	v8 =	vmin.f32 v8, v12;
	v7 =	vmin.f32 v7, v13  }
0x8d: {  	v8 =	vmin.f32 v8, v14;
	v7 =	vmin.f32 v7, v15;
	v9, _, _ =	vpop (xrf1)  }
0x8e: {  	v8 =	vmin.f32 v8, v16;
	v7 =	vmin.f32 v7, v17;
	v10, _, _ =	vpop (xrf1)  }
0x8f: {  	v8 =	vmin.f32 v8, v55;
	v7 =	vmin.f32 v7, v56;
	v10 =	vperm.xlane v10, v1  }
0x90: {  	v8 =	vmin.f32 v8, v57;
	v7 =	vmin.f32 v7, v58  }
0x91: {  	v8 =	vmin.f32 v8, v59;
	v7 =	vmin.f32 v7, v60;
	v9 =	vmin.f32 v9, v10  }
0x92: {  	v8 =	vmin.f32 v8, v61;
	v7 =	vmin.f32 v7, v62;
	(xrf1) =	vsort.ascd.msk.f32 $0xffff, v9, v9  }
0x93: {  	v8 =	vmin.f32 v8, v63;
	(xrf1) =	vsort.ascd.msk.f32 $0xffff, v7, v7  }
0x94: {  	(xrf1) =	vsort.ascd.msk.f32 $0xffff, v8, v8;
	_ =	sdelay $0xb  }
0x95: {  	v7, _, _ =	vpop (xrf1)  }
0x96: {  	v8, _, _ =	vpop (xrf1)  }
0x97: {  	v9, _, _ =	vpop (xrf1)  }
0x98: {  	v9 =	vperm.xlane v9, v1;
	_ =	sdelay $0x1  }
0x99: {  	v8 =	vmax.f32 v8, v9  }
0x9a: {  	(xrf1) =	vsort.ascd.msk.f32 $0xffff, v8, v8;
	_ =	sdelay $0xd  }
0x9b: {  	v7 =	vsel vm0, $0x7F800000, v7;
	v8, _, _ =	vpop (xrf1)  }
0x9c: {  	(xrf0) =	vmin.scan.msk.f32 $0xffff, v7;
	v7 =	vnsel vm1, $0xFF800000, v8  }
0x9d: {  	(xrf0) =	vmax.scan.msk.f32 $0xffff, v7;
	_ =	sdelay $0x4  }
0x9e: {  	v7, _, _ =	vpop (xrf0)  }
0x9f: {  	v11 =	vimm.s32 $0x0;
	v9 =	vmov s16;
	v8, _, _ =	vpop (xrf0)  }
0xa0: {  	s18 =	simm.s32 $0x0;
	s17 =	simm.s32 $0xFFFFFFFC;
	v10 =	vimm.s32 $0x0;
	s16 =	simm.s32 $0x0;
	v7 =	vbroadcast v7, $0xF;
	v8 =	vbroadcast v8, $0xF  }
.LBB2_5:
0xa1: {  	s19 =	sand.u32 $0x1C00, s16  }
0xa2: {  	s20 =	sand.u32 $0x40, s18;
	s19 =	sadd.s32 s19, s15  }
0xa3: {  	s19 =	sadd.s32 s20, s19  }
0xa4: {  	v12 =	vld.idx.msk [tilespmem:v9+s19+$0x0 ss:$0x1], $0xffff;
	_ =	sdelay $0x4  }
0xa5: {  	vm2 =	vge.f32 v12, v7  }
0xa6: {  	vm3 =	vle.f32 v12, v8;
	v13 =	vsel vm2, $0x1, v2  }
0xa7: {  	v43 =	vsel vm3, $0x1, v2;
	(xrf0) =	vadd.scan.msk.s32 $0xffff, v13  }
0xa8: {  	(xrf0) =	vadd.scan.msk.s32 $0xffff, v43;
	_ =	sdelay $0x4  }
0xa9: {  	v44, _, _ =	vpop (xrf0)  }
0xaa: {  	v14, _, _ =	vpop (xrf0);
	v13 =	vadd.s32 v44, v11  }
0xab: {  	v13 =	vadd.s32 $0xFFFFFFFF, v13;
	v14 =	vadd.s32 v14, v10  }
0xac: {  	v14 =	vadd.s32 $0xFFFFFFFF, v14;
	_ =	sdelay $0x3  }
0xad: {  	[tilespmem:v13+s7+$0x0] =	vst.idx.msk vm2, v12  }
0xae: {  	[tilespmem:v14+s8+$0x0] =	vst.idx.msk vm3, v12  }
0xaf: {  	v12 =	vld.idx.msk [tilespmem:v9+s19+$0x10 ss:$0x1], $0xffff;
	_ =	sdelay $0x4  }
0xb0: {  	vm4 =	vge.f32 v12, v7  }
0xb1: {  	vm5 =	vle.f32 v12, v8;
	v45 =	vsel vm4, $0x1, v2  }
0xb2: {  	v46 =	vsel vm5, $0x1, v2;
	(xrf0) =	vadd.scan.msk.s32 $0xffff, v45  }
0xb3: {  	(xrf0) =	vadd.scan.msk.s32 $0xffff, v46;
	_ =	sdelay $0x2  }
0xb4: {  	v47 =	vmpcnt.ones.xlane vm2  }
0xb5: {  	v48 =	vmpcnt.ones.xlane vm3  }
0xb6: {  	v11 =	vadd.s32 v11, v47;
	v49, _, _ =	vpop (xrf0)  }
0xb7: {  	v10 =	vadd.s32 v10, v48;
	v50, _, _ =	vpop (xrf0);
	v13 =	vadd.s32 v49, v11  }
0xb8: {  	v13 =	vadd.s32 $0xFFFFFFFF, v13;
	v14 =	vadd.s32 v50, v10  }
0xb9: {  	v14 =	vadd.s32 $0xFFFFFFFF, v14;
	_ =	sdelay $0x3  }
0xba: {  	[tilespmem:v13+s7+$0x0] =	vst.idx.msk vm4, v12  }
0xbb: {  	[tilespmem:v14+s8+$0x0] =	vst.idx.msk vm5, v12  }
0xbc: {  	v12 =	vld.idx.msk [tilespmem:v9+s19+$0x20 ss:$0x1], $0xffff;
	_ =	sdelay $0x4  }
0xbd: {  	vm2 =	vge.f32 v12, v7  }
0xbe: {  	vm3 =	vle.f32 v12, v8;
	v51 =	vsel vm2, $0x1, v2  }
0xbf: {  	v52 =	vsel vm3, $0x1, v2;
	(xrf0) =	vadd.scan.msk.s32 $0xffff, v51  }
0xc0: {  	(xrf0) =	vadd.scan.msk.s32 $0xffff, v52;
	_ =	sdelay $0x2  }
0xc1: {  	v53 =	vmpcnt.ones.xlane vm4  }
0xc2: {  	v54 =	vmpcnt.ones.xlane vm5  }
0xc3: {  	v11 =	vadd.s32 v11, v53;
	v55, _, _ =	vpop (xrf0)  }
0xc4: {  	v10 =	vadd.s32 v10, v54;
	v56, _, _ =	vpop (xrf0);
	v13 =	vadd.s32 v55, v11  }
0xc5: {  	v13 =	vadd.s32 $0xFFFFFFFF, v13;
	v14 =	vadd.s32 v56, v10  }
0xc6: {  	v14 =	vadd.s32 $0xFFFFFFFF, v14;
	_ =	sdelay $0x3  }
0xc7: {  	[tilespmem:v13+s7+$0x0] =	vst.idx.msk vm2, v12  }
0xc8: {  	[tilespmem:v14+s8+$0x0] =	vst.idx.msk vm3, v12  }
0xc9: {  	v12 =	vld.idx.msk [tilespmem:v9+s19+$0x30 ss:$0x1], $0xffff;
	_ =	sdelay $0x4  }
0xca: {  	vm14 =	vge.f32 v12, v7  }
0xcb: {  	vm15 =	vle.f32 v12, v8;
	v57 =	vsel vm14, $0x1, v2  }
0xcc: {  	v58 =	vsel vm15, $0x1, v2;
	(xrf0) =	vadd.scan.msk.s32 $0xffff, v57  }
0xcd: {  	(xrf0) =	vadd.scan.msk.s32 $0xffff, v58;
	_ =	sdelay $0x2  }
0xce: {  	v59 =	vmpcnt.ones.xlane vm2  }
0xcf: {  	v60 =	vmpcnt.ones.xlane vm3  }
0xd0: {  	v11 =	vadd.s32 v11, v59;
	v15, _, _ =	vpop (xrf0)  }
0xd1: {  	v10 =	vadd.s32 v10, v60;
	v61, _, _ =	vpop (xrf0);
	v62 =	vadd.s32 v15, v11  }
0xd2: {  	s17 =	sadd.s32 $0x4, s17;
	v14 =	vadd.s32 $0xFFFFFFFF, v62;
	v13 =	vadd.s32 v61, v10  }
0xd3: {  	p1 =	slt.u32 s17, $0x3C;
	v13 =	vadd.s32 $0xFFFFFFFF, v13  }
.Ltmp8:
0xd4: {  	_ = 	snop;
	(pc) =	sbr.rel @p1 .LBB2_5-.Ltmp8, $4  }
0xd5: {  	_ = 	snop  }
0xd6: {  	v63 =	vmpcnt.ones.xlane vm14;
	v16 =	vmpcnt.ones.xlane vm15  }
0xd7: {  	[tilespmem:v14+s7+$0x0] =	vst.idx.msk vm14, v12  }
0xd8: {  	s16 =	sadd.s32 $0x200, s16;
	s18 =	sadd.s32 $0x40, s18;
	v11 =	vadd.s32 v11, v63;
	v10 =	vadd.s32 v10, v16;
	[tilespmem:v13+s8+$0x0] =	vst.idx.msk vm15, v12  }
0xd9: {  	v7 =	vxor.u32 $0x80000000, v11  }
0xda: {  	(xrf0) =	vmax.scan.msk.u32 $0xffff, v7;
	_ =	sdelay $0x5  }
0xdb: {  	v7, _, _ =	vpop (xrf0)  }
0xdc: {  	(v2sf) =	vpush v7, $0xF;
	_ =	sdelay $0x4  }
0xdd: {  	v7 =	vxor.u32 $0x80000000, v10  }
0xde: {  	(xrf0) =	vmax.scan.msk.u32 $0xffff, v7;
	_ =	sdelay $0x5  }
0xdf: {  	v7, _, _ =	vpop (xrf0)  }
0xe0: {  	(v2sf) =	vpush v7, $0xF;
	_ =	sdelay $0x1  }
0xe1: {  	s15 =	spop (v2sf)  }
0xe2: {  	s15 =	sadd.s32 $0x8000000F, s15  }
0xe3: {  	s16 =	sand.u32 $0xF, s15  }
0xe4: {  	s17 =	sshra.s32 s15, $0x1F;
	p1 =	slt.s32 s15, $0x1;
	p2 =	sne.s32 s16, $0x0  }
0xe5: {  	s31 =	sshrl.u32 s17, $0x1C;
	p1 =	por !p1, !p2  }
0xe6: {  	s17 =	simm.s32 $0x1;
	s15 =	sadd.s32 s31, s15;
	p1 =	por !p1, !p1  }
0xe7: {  	s15 =	sshra.s32 s15, $0x4;
	s17 =	simm.s32 @!p1 $0x0  }
0xe8: {  	v8 =	vadd.s32 v0, v11;
	s17 =	ssub.s32 s15, s17  }
0xe9: {  	v9 =	vadd.s32 v0, v10;
	p1 =	slt.s32 s17, $0x1  }
.Ltmp9:
0xea: {  	_ = 	snop;
	(pc) =	sbr.rel @p1 .LBB2_7-.Ltmp9, $4  }
0xeb: {  	_ = 	snop  }
0xec: {  	v7 =	vimm.f32 $-Inf;
	s16 =	simm.s32 $0x8000  }
0xed: {  	[tilespmem:v8+s16+$0x0] =	vst.idx.msk $0xffff, v7  }
0xee: {  	[tilespmem:v9+s8+$0x0] =	vst.idx.msk $0xffff, v3;
	s15 =	spop (v2sf)  }
0xef: {  	p3 =	sne.s32 s17, $0x1  }
.Ltmp10:
0xf0: {  	_ = 	snop;
	(pc) =	sbr.rel @!p3 .LBB2_9-.Ltmp10, $2  }
0xf1: {  	_ =	sdelay $0x2  }
0xf2: {  	v8 =	vld [tilespmem:s16+$0x0];
	s17 =	sadd.s32 $0xFFFFFFFF, s17;
	p1 =	por $0x0, $0x0;
	p2 =	por $0x0, $0x0  }
0xf3: {  	_ =	sdelay $0x3  }
0xf4: {  	(xrf1) =	vsort.ascd.msk.f32 $0xffff, v8, v8;
	_ =	sdelay $0xc  }
0xf5: {  	p3 =	sne.s32 s17, $0x1  }
.Ltmp11:
0xf6: {  	v8, _, _ =	vpop (xrf1);
	(pc) =	sbr.rel @!p3 .LBB2_11-.Ltmp11, $3  }
0xf7: {  	v8 =	vperm.xlane v8, v1;
	_ =	sdelay $0x1  }
0xf8: {  	s16 =	sadd.s32 $0x10, s16;
	v8 =	vmax.f32 v7, v8  }
0xf9: {  	s17 =	sadd.s32 $0xFFFFFFFF, s17;
	p1 =	por $0x1, $0x1;
	(xrf1) =	vsort.ascd.msk.f32 $0xffff, v8, v8;
	v8 =	vld [tilespmem:s16+$0x0]  }
0xfa: {  	_ =	sdelay $0xc  }
0xfb: {  	v9, _, _ =	vpop (xrf1)  }
0xfc: {  	v9 =	vperm.xlane v9, v1  }
0xfd: {  	(xrf1) =	vsort.ascd.msk.f32 $0xffff, v8, v8  }
0xfe: {  	v8 =	vmin.f32 v7, v9  }
0xff: {  	(xrf1) =	vsort.ascd.msk.f32 $0xffff, v8, v8;
	_ =	sdelay $0xb  }
0x100: {  	v8, _, _ =	vpop (xrf1)  }
0x101: {  	v8 =	vperm.xlane v8, v1  }
0x102: {  	v10, _, _ =	vpop (xrf1)  }
0x103: {  	v8 =	vmax.f32 v10, v8  }
0x104: {  	(xrf1) =	vsort.ascd.msk.f32 $0xffff, v8, v8  }
0x105: {  	v8 =	vmax.f32 v7, v9  }
0x106: {  	(xrf1) =	vsort.ascd.msk.f32 $0xffff, v8, v8;
	_ =	sdelay $0x3  }
0x107: {  	p3 =	sne.s32 s17, $0x1  }
.Ltmp12:
0x108: {  	_ = 	snop;
	(pc) =	sbr.rel @!p3 .LBB2_14-.Ltmp12, $3  }
0x109: {  	_ =	sdelay $0x1  }
0x10a: {  	s16 =	sadd.s32 $0x10, s16  }
0x10b: {  	s17 =	sadd.s32 $0xFFFFFFFF, s17;
	p2 =	por $0x1, $0x1;
	v8 =	vld [tilespmem:s16+$0x0]  }
.LBB2_13:
0x10c: {  	p3 =	sne.s32 s17, $0x1;
	_ =	sdelay $0x1  }
0x10d: {  	v9, _, _ =	vpop (xrf1)  }
0x10e: {  	v9 =	vperm.xlane v9, v1  }
0x10f: {  	(xrf1) =	vsort.ascd.msk.f32 $0xffff, v8, v8;
	v8, _, _ =	vpop (xrf1)  }
0x110: {  	v10 =	vmin.f32 v8, v9  }
0x111: {  	(xrf1) =	vsort.ascd.msk.f32 $0xffff, v10, v10;
	_ =	sdelay $0xb  }
0x112: {  	v10, _, _ =	vpop (xrf1)  }
0x113: {  	v10 =	vperm.xlane v10, v1  }
0x114: {  	v11, _, _ =	vpop (xrf1)  }
0x115: {  	v10 =	vmax.f32 v11, v10  }
0x116: {  	(xrf1) =	vsort.ascd.msk.f32 $0xffff, v10, v10  }
0x117: {  	v8 =	vmax.f32 v8, v9  }
0x118: {  	(xrf1) =	vsort.ascd.msk.f32 $0xffff, v8, v8;
	_ =	sdelay $0x4  }
.Ltmp13:
0x119: {  	(pc) =	sbr.rel @p3 .LBB2_13-.Ltmp13, $3  }
0x11a: {  	_ =	sdelay $0x1  }
0x11b: {  	s16 =	sadd.s32 $0x10, s16  }
0x11c: {  	s17 =	sadd.s32 $0xFFFFFFFF, s17;
	v8 =	vld [tilespmem:s16+$0x0]  }
.LBB2_14:
0x11d: {  	_ =	sdelay $0x2  }
0x11e: {  	v9, _, _ =	vpop @p1 (xrf1)  }
0x11f: {  	v9 =	vperm.xlane @p1 v9, v1;
	v10, _, _ =	vpop @p2 (xrf1)  }
0x120: {  	v10 =	vpsel p2, v10, v7  }
0x121: {  	(xrf1) =	vsort.ascd.msk.f32 $0xffff, v8, v8;
	v8 =	vmin.f32 @p1 v10, v9  }
0x122: {  	(xrf1) =	vsort.ascd.msk.f32 @p1 $0xffff, v8, v8;
	_ =	sdelay $0xc  }
0x123: {  	v8, _, _ =	vpop (xrf1)  }
0x124: {  	v8 =	vperm.xlane v8, v1;
	v11, _, _ =	vpop @p1 (xrf1)  }
0x125: {  	v11 =	vpsel p1, v11, v7  }
0x126: {  	v8 =	vmax.f32 v11, v8  }
0x127: {  	(xrf1) =	vsort.ascd.msk.f32 $0xffff, v8, v8;
	v8 =	vmax.f32 @p1 v10, v9  }
0x128: {  	(xrf1) =	vsort.ascd.msk.f32 @p1 $0xffff, v8, v8;
	_ =	sdelay $0xc  }
0x129: {  	v8, _, _ =	vpop (xrf1)  }
0x12a: {  	v8 =	vperm.xlane v8, v1;
	v9, _, _ =	vpop @p1 (xrf1)  }
0x12b: {  	v7 =	vpsel p1, v9, v7  }
0x12c: {  	v9 =	vmin.f32 v7, v8  }
0x12d: {  	v7 =	vmax.f32 v7, v8;
	(xrf1) =	vsort.ascd.msk.f32 $0xffff, v9, v9  }
0x12e: {  	(xrf1) =	vsort.ascd.msk.f32 $0xffff, v7, v7;
	_ =	sdelay $0x9  }
.Ltmp14:
0x12f: {  	_ = 	snop;
	(pc) =	sbr.rel .LBB2_15-.Ltmp14, $3  }
0x130: {  	_ =	sdelay $0x1  }
0x131: {  	v7, _, _ =	vpop (xrf1)  }
0x132: {  	v8, _, _ =	vpop (xrf1)  }
.LBB2_7:
0x133: {  	v8 =	vimm.f32 $-Inf  }
.LBB2_15:
0x134: {  	(xrf2) =	vadd.scan.msk.f32 $0xffff, v8;
	v7 =	vsel vm0, $0x0, v7  }
0x135: {  	(xrf2) =	vadd.scan.msk.f32 $0xffff, v7;
	_ =	sdelay $0x8  }
0x136: {  	v7, _, _ =	vpop (xrf2)  }
0x137: {  	(v2sf) =	vpush v7, $0xF;
	v7, _, _ =	vpop (xrf2)  }
0x138: {  	(v2sf) =	vpush v7, $0xF;
	_ =	sdelay $0x2  }
0x139: {  	s15 =	sadd.s32 $0x8000000F, s15  }
0x13a: {  	s16 =	sand.u32 $0xF, s15  }
0x13b: {  	s17 =	sshra.s32 s15, $0x1F;
	p1 =	slt.s32 s15, $0x1;
	p2 =	sne.s32 s16, $0x0  }
0x13c: {  	s31 =	sshrl.u32 s17, $0x1C;
	p1 =	por !p1, !p2  }
0x13d: {  	s16 =	simm.s32 $0x1;
	s15 =	sadd.s32 s31, s15;
	p1 =	por !p1, !p1  }
0x13e: {  	s15 =	sshra.s32 s15, $0x4;
	s16 =	simm.s32 @!p1 $0x0  }
0x13f: {  	s18 =	ssub.s32 s15, s16  }
0x140: {  	p1 =	slt.s32 s18, $0x1  }
.Ltmp15:
0x141: {  	_ = 	snop;
	(pc) =	sbr.rel @p1 .LBB2_16-.Ltmp15, $3  }
0x142: {  	_ =	sdelay $0x1  }
0x143: {  	s15 =	spop (v2sf)  }
0x144: {  	s17 =	simm.s32 $0x8480;
	v7 =	vimm.f32 $+Inf;
	s16 =	spop (v2sf)  }
0x145: {  	p3 =	sne.s32 s18, $0x1  }
.Ltmp16:
0x146: {  	_ = 	snop;
	(pc) =	sbr.rel @!p3 .LBB2_18-.Ltmp16, $2  }
0x147: {  	_ =	sdelay $0x2  }
0x148: {  	v8 =	vld [tilespmem:s17+$0x0];
	s18 =	sadd.s32 $0xFFFFFFFF, s18;
	p1 =	por $0x0, $0x0;
	p2 =	por $0x0, $0x0  }
0x149: {  	_ =	sdelay $0x3  }
0x14a: {  	(xrf1) =	vsort.ascd.msk.f32 $0xffff, v8, v8;
	_ =	sdelay $0xc  }
0x14b: {  	p3 =	sne.s32 s18, $0x1  }
.Ltmp17:
0x14c: {  	v8, _, _ =	vpop (xrf1);
	(pc) =	sbr.rel @!p3 .LBB2_20-.Ltmp17, $3  }
0x14d: {  	v8 =	vperm.xlane v8, v1;
	_ =	sdelay $0x1  }
0x14e: {  	s17 =	sadd.s32 $0x10, s17;
	v8 =	vmin.f32 v7, v8  }
0x14f: {  	s18 =	sadd.s32 $0xFFFFFFFF, s18;
	p1 =	por $0x1, $0x1;
	(xrf1) =	vsort.ascd.msk.f32 $0xffff, v8, v8;
	v8 =	vld [tilespmem:s17+$0x0]  }
0x150: {  	_ =	sdelay $0xc  }
0x151: {  	v9, _, _ =	vpop (xrf1)  }
0x152: {  	v9 =	vperm.xlane v9, v1  }
0x153: {  	(xrf1) =	vsort.ascd.msk.f32 $0xffff, v8, v8  }
0x154: {  	v8 =	vmax.f32 v7, v9  }
0x155: {  	(xrf1) =	vsort.ascd.msk.f32 $0xffff, v8, v8;
	_ =	sdelay $0xb  }
0x156: {  	v8, _, _ =	vpop (xrf1)  }
0x157: {  	v8 =	vperm.xlane v8, v1  }
0x158: {  	v10, _, _ =	vpop (xrf1)  }
0x159: {  	v8 =	vmin.f32 v10, v8  }
0x15a: {  	(xrf1) =	vsort.ascd.msk.f32 $0xffff, v8, v8  }
0x15b: {  	v8 =	vmin.f32 v7, v9  }
0x15c: {  	(xrf1) =	vsort.ascd.msk.f32 $0xffff, v8, v8;
	_ =	sdelay $0x3  }
0x15d: {  	p3 =	sne.s32 s18, $0x1  }
.Ltmp18:
0x15e: {  	_ = 	snop;
	(pc) =	sbr.rel @!p3 .LBB2_23-.Ltmp18, $3  }
0x15f: {  	_ =	sdelay $0x1  }
0x160: {  	s17 =	sadd.s32 $0x10, s17  }
0x161: {  	s18 =	sadd.s32 $0xFFFFFFFF, s18;
	p2 =	por $0x1, $0x1;
	v8 =	vld [tilespmem:s17+$0x0]  }
.LBB2_22:
0x162: {  	p3 =	sne.s32 s18, $0x1;
	_ =	sdelay $0x1  }
0x163: {  	v9, _, _ =	vpop (xrf1)  }
0x164: {  	v9 =	vperm.xlane v9, v1  }
0x165: {  	(xrf1) =	vsort.ascd.msk.f32 $0xffff, v8, v8;
	v8, _, _ =	vpop (xrf1)  }
0x166: {  	v10 =	vmax.f32 v8, v9  }
0x167: {  	(xrf1) =	vsort.ascd.msk.f32 $0xffff, v10, v10;
	_ =	sdelay $0xb  }
0x168: {  	v10, _, _ =	vpop (xrf1)  }
0x169: {  	v10 =	vperm.xlane v10, v1  }
0x16a: {  	v11, _, _ =	vpop (xrf1)  }
0x16b: {  	v10 =	vmin.f32 v11, v10  }
0x16c: {  	(xrf1) =	vsort.ascd.msk.f32 $0xffff, v10, v10  }
0x16d: {  	v8 =	vmin.f32 v8, v9  }
0x16e: {  	(xrf1) =	vsort.ascd.msk.f32 $0xffff, v8, v8;
	_ =	sdelay $0x4  }
.Ltmp19:
0x16f: {  	(pc) =	sbr.rel @p3 .LBB2_22-.Ltmp19, $3  }
0x170: {  	_ =	sdelay $0x1  }
0x171: {  	s17 =	sadd.s32 $0x10, s17  }
0x172: {  	s18 =	sadd.s32 $0xFFFFFFFF, s18;
	v8 =	vld [tilespmem:s17+$0x0]  }
.LBB2_23:
0x173: {  	_ =	sdelay $0x2  }
0x174: {  	v9, _, _ =	vpop @p1 (xrf1)  }
0x175: {  	v9 =	vperm.xlane @p1 v9, v1;
	v10, _, _ =	vpop @p2 (xrf1)  }
0x176: {  	v10 =	vpsel p2, v10, v7  }
0x177: {  	(xrf1) =	vsort.ascd.msk.f32 $0xffff, v8, v8;
	v8 =	vmax.f32 @p1 v10, v9  }
0x178: {  	(xrf1) =	vsort.ascd.msk.f32 @p1 $0xffff, v8, v8;
	_ =	sdelay $0xc  }
0x179: {  	v8, _, _ =	vpop (xrf1)  }
0x17a: {  	v8 =	vperm.xlane v8, v1;
	v11, _, _ =	vpop @p1 (xrf1)  }
0x17b: {  	v11 =	vpsel p1, v11, v7  }
0x17c: {  	v8 =	vmin.f32 v11, v8  }
0x17d: {  	(xrf1) =	vsort.ascd.msk.f32 $0xffff, v8, v8;
	v8 =	vmin.f32 @p1 v10, v9  }
0x17e: {  	(xrf1) =	vsort.ascd.msk.f32 @p1 $0xffff, v8, v8;
	_ =	sdelay $0xc  }
0x17f: {  	v8, _, _ =	vpop (xrf1)  }
0x180: {  	v8 =	vperm.xlane v8, v1;
	v9, _, _ =	vpop @p1 (xrf1)  }
0x181: {  	v7 =	vpsel p1, v9, v7  }
0x182: {  	v9 =	vmax.f32 v7, v8  }
0x183: {  	v7 =	vmin.f32 v7, v8;
	(xrf1) =	vsort.ascd.msk.f32 $0xffff, v9, v9  }
0x184: {  	(xrf1) =	vsort.ascd.msk.f32 $0xffff, v7, v7;
	_ =	sdelay $0x9  }
.Ltmp20:
0x185: {  	_ = 	snop;
	(pc) =	sbr.rel .LBB2_24-.Ltmp20, $3  }
0x186: {  	_ =	sdelay $0x1  }
0x187: {  	v8, _, _ =	vpop (xrf1)  }
0x188: {  	v7, _, _ =	vpop (xrf1);
	v8 =	vnsel vm1, $0x0, v8  }
.LBB2_9:
.Ltmp21:
0x189: {  	(pc) =	sbr.rel .LBB2_14-.Ltmp21, $2  }
0x18a: {  	_ =	sdelay $0x2  }
0x18b: {  	_ = 	snop  }
.LBB2_18:
.Ltmp22:
0x18c: {  	(pc) =	sbr.rel .LBB2_23-.Ltmp22, $2  }
0x18d: {  	_ =	sdelay $0x2  }
0x18e: {  	_ = 	snop  }
.LBB2_11:
.Ltmp23:
0x18f: {  	(pc) =	sbr.rel .LBB2_14-.Ltmp23, $2  }
0x190: {  	_ =	sdelay $0x2  }
0x191: {  	_ = 	snop  }
.LBB2_20:
.Ltmp24:
0x192: {  	(pc) =	sbr.rel .LBB2_23-.Ltmp24, $2  }
0x193: {  	_ =	sdelay $0x2  }
0x194: {  	_ = 	snop  }
.LBB2_28:
0x195: {  	_ =	sfence.sel $0x180000  }
0x196: {  	[bflag:$0x0] =	sbarrier.arrive $0xFFFF  }
0x197: {  	p0 =	sne.s32 s1, $0x0;
	_ =	strace $0x9000004A  }
0x198: {  	s0 =	sadd.s32 @!p0 $0x100000, s0;
	[bflag:$0x2] =	sbarrier.arrive $0xFFFF  }
0x199: {  	[sflag:s0] =	ssyncadd.tile.s32 @!p0 $0x1;
	_ =	shalt  }
.Lfunc_end2:
_tile_overlayer_lowered:
.L_overlay_start_2:
0x19a: {  	(tag) =	ssettag $0x2  }
0x19b: {  	s0 =	rddreg [dreg:$0x0];
	s2 =	stileid.u32  }
0x19c: {  	s1 =	rddreg [dreg:$0x1];
	p0 =	sne.s32 s2, $0x0  }
0x19d: {  	s3 =	rddreg [dreg:$0x2];
	[bflag:$0x3] =	sbarrier.arrive $0xFFFF;
	s2 =	simm.s32 @!p0 $0x1C01  }
0x19e: {  	[timem:s3], [sflag:s2] =	dma.local @!p0 [hbm:s0], s1  }
0x19f: {  	s0 =	simm.s32 @!p0 $0x1  }
0x1a0: {  	_ =	swait.ge @!p0 [sflag:s0], s1  }
0x1a1: {  	s1 =	ssub.s32 @!p0 $0x0, s1;
	[sflag:s0] =	ssyncset.done @!p0 $0x0  }
0x1a2: {  	[sflag:s0] =	ssyncadd.s32 @!p0 s1  }
0x1a3: {  	[bflag:$0x3] =	sbarrier.arrive $0xFFFF  }
0x1a4: {  	_ =	shalt  }

// kernel: sparse-core-data-format-call.cloned.1.call-start
scs
called_computation_lowered:
.L_overlay_start_0:
0x0: {  	s1 =	sld [smem:$0x3FD9]  }
0x1: {  	s2 =	sld [smem:$0x3FFE];
	_ =	sdelay $0x1  }
0x2: {  	s3 =	srdreg.scid  }
0x3: {  	s0 =	sand.u32 $0x1, s3  }
0x4: {  	s17 =	sshll.u32 s0, $0xA;
	s1 =	sadd.s32 s2, s1  }
0x5: {  	s1 =	sadd.s32 s1, s17  }
0x6: {  	[smem:$0x3FC7] =	sst s1  }
0x7: {  	_ = 	snop  }
0x8: {  	(tm) =	ssettm $0x1  }
0x9: {  	s18 =	sld [smem:$0x3FFB];
	_ =	sdelay $0x3  }
0xa: {  	_ =	strace s18  }
0xb: {  	s1 =	sld [smem:$0x3FFC];
	_ =	sdelay $0x3  }
0xc: {  	_ =	strace s1  }
0xd: {  	s1 =	sld [smem:$0x3FFD];
	_ =	sdelay $0x3  }
0xe: {  	_ =	strace s1  }
0xf: {  	_ =	strace $0x8FFFFFFF  }
0x10: {  	s19 =	sld [smem:$0x3FDB];
	_ =	sdelay $0x1  }
0x11: {  	s20 =	simm.s32 $_scs_section_size  }
0x12: {  	s4 =	simm.s32 $_size__tile_overlayer_lowered;
	s5 =	simm.s32 $_tile_overlayer_lowered  }
0x13: {  	s23 =	simm.s32 $0x1BFF;
	s22 =	sshll.u32 s5, $0x1;
	s1 =	sadd.s32 s20, s19  }
0x14: {  	s6 =	simm.s32 $0x0;
	s21 =	sshll.u32 s4, $0x1;
	s4 =	sadd.s32 s22, s1  }
0x15: {  	[timem:s6], [sflag:s23] =	dma.local [hbm:s4], s21  }
0x16: {  	_ =	swait.ge [sflag:s23], s21  }
0x17: {  	s2 =	ssub.s32 $0x0, s21;
	[sflag:s23] =	ssyncset.done $0x0  }
0x18: {  	[sflag:s23] =	ssyncadd.s32 s2;
	_ =	sdelay $0x1  }
0x19: {  	s24 =	simm.s32 $0x1B8B  }
0x1a: {  	_ =	swait.ge [sflag:s24], $0x1  }
0x1b: {  	[sflag:s24] =	ssyncset.done $0x0  }
0x1c: {  	s26 =	simm.s32 $0x1B8E;
	s25 =	sld [smem:$0x3FFE];
	[sflag:s24] =	ssyncadd.s32 $0xFFFFFFFF  }
0x1d: {  	s27 =	simm.s32 $execute0_lowered;
	[smem:$0x3FD2] =	sst s26  }
0x1e: {  	s4 =	sshll.u32 s27, $0x1;
	_ =	strace $0x80000046;
	[dreg:$0x1] =	wrdreg $0xFFFFFFFF  }
0x1f: {  	s28 =	simm.s32 $_size_execute0_lowered;
	s1 =	sadd.s32 s1, s4;
	[dreg:$0x0] =	wrdreg $0x0  }
0x20: {  	s4 =	sshll.u32 s28, $0x1;
	[dreg:$0x2] =	wrdreg s1  }
0x21: {  	[dreg:$0x3] =	wrdreg s4  }
0x22: {  	[dreg:$0x4] =	wrdreg $0xC0  }
0x23: {  	_ =	task [dreg:s6], $0x5FFFF  }
0x24: {  	[dreg:$0x1] =	wrdreg $0xFFFFFFFF  }
0x25: {  	[dreg:$0x0] =	wrdreg $0x60  }
0x26: {  	[dreg:$0x2] =	wrdreg s25  }
0x27: {  	[dreg:$0x3] =	wrdreg $0x9  }
0x28: {  	_ =	task.clear_ibuf [dreg:s6], $0x4FFFF;
	_ =	strace $0x90000046  }
0x29: {  	s29 =	simm.s32 $0x9;
	_ =	strace $0x80000048  }
0x2a: {  	_ =	swait.ge [sflag:s29], $0x1  }
0x2b: {  	[sflag:s29] =	ssyncadd.s32 $0xFFFFFFFF  }
0x2c: {  	_ =	strace $0x90000048  }
0x2d: {  	_ =	sfence  }
0x2e: {  	s30 =	sld [smem:$0x0];
	_ =	sdelay $0x2  }
0x2f: {  	s31 =	sshll.u32 s3, $0xD;
	s3 =	sshrl.u32 s3, $0x2  }
0x30: {  	s2 =	sand.u32 $0x4000, s31;
	s1 =	sadd.s32 s3, s30  }
0x31: {  	s0 =	sor.u32 s2, s0;
	s1 =	sshll.u32 s1, $0x11  }
0x32: {  	s0 =	sor.u32 s1, s0  }
0x33: {  	s0 =	sadd.s32 $0x8F2B, s0  }
0x34: {  	[sflag:s0] =	ssyncadd.remote.s32 $0x1  }
0x35: {  	_ =	sfence.sel $0xFFFF  }
0x36: {  	[dreg:$0x0] =	wrdreg $0xFFFFFFFF;
	(pc) =	sbr.abs _section_cstart, $3  }
0x37: {  	[dreg:$0x1] =	wrdreg $0xFFFFFFFF  }
0x38: {  	_ =	task.clear_ibuf [dreg:s6], $0x2FFFF;
	_ =	strace $0x9FFFFFFF  }
0x39: {  	(tm) =	ssettm $0x7FFFFFFF  }
tec
execute0_lowered:
.L_overlay_start_1:
0x0: {  	(tag) =	ssettag $0x1  }
0x1: {  	s1 =	rddreg [dreg:$0x0]  }
0x2: {  	s0 =	rddreg [dreg:$0x1]  }
0x3: {  	_ =	strace $0x80000047;
	s4 =	srdreg.scid;
	s6 =	simm.s32 $0x2  }
0x4: {  	s13 =	simm.s32 $0x0;
	p0 =	por $0x0, $0x0;
	s12 =	simm.s32 $0x0  }
0x5: {  	s15 =	simm.s32 $0x0;
	s14 =	simm.s32 $0x0;
	s8 =	simm.s32 $0x0  }
.Ltmp0:
0x6: {  	s9 =	simm.s32 $0x0;
	s10 =	simm.s32 $0x0;
	(pc) =	sbr.rel .LBB1_1-.Ltmp0, $4  }
0x7: {  	s2 =	sadd.s32 $0x800, s1;
	s3 =	sadd.s32 $0x300800, s1;
	s5 =	sshll.u32 s4, $0x4  }
0x8: {  	s1 =	stileid.u32;
	s4 =	simm.s32 $0x1;
	s5 =	sand.u32 $0x10, s5  }
0x9: {  	s7 =	simm.s32 $0x0;
	[sflag:s4] =	ssyncpa.u1 $0x0;
	s5 =	sor.u32 s1, s5  }
0xa: {  	[sflag:s6] =	ssyncpa.u1 $0x0;
	s6 =	simm.s32 $0x1800;
	s11 =	smov.u32 s5  }
.LBB1_7:
0xb: {  	s16 =	sadd.s32 $0x80, s8  }
0xc: {  	s12 =	sadd.s32 $0x20, s9;
	s17 =	smov.u32 s9;
	p2 =	sgt.s32 s16, $0x2FF  }
0xd: {  	s17 =	smov.u32 @p2 s12  }
0xe: {  	s18 =	smov.u32 s10;
	s12 =	sadd.s32 $0x4, s10;
	p3 =	sgt.s32 s17, $0x1F  }
0xf: {  	s18 =	smov.u32 @p3 s12  }
0x10: {  	s19 =	smov.u32 s11;
	s12 =	sadd.s32 $0x20, s11;
	p4 =	sgt.s32 s18, $0x7  }
0x11: {  	p1 =	slt.u32 s7, $0x2;
	s19 =	smov.u32 @p4 s12  }
0x12: {  	s7 =	sadd.s32 $0x1, s7;
	s16 =	simm.s32 @p2 $0x0;
	p2 =	sgt.s32 s19, $0x7F  }
0x13: {  	s13 =	smov.u32 s8;
	s19 =	smov.u32 @p2 s5;
	p2 =	sne.s32 s7, $0x32  }
.Ltmp1:
0x14: {  	s15 =	smov.u32 s10;
	s20 =	simm.s32 @!p1 $0x2;
	(pc) =	sbr.rel @!p2 .LBB1_8-.Ltmp1, $4  }
0x15: {  	s14 =	smov.u32 s11;
	p0 =	por !p0, !p0;
	_ =	swait.ge @!p1 [sflag:s20], $0x4000  }
0x16: {  	[sflag:s20] =	ssyncset.done @!p1 $0x0;
	s8 =	smov.u32 s16;
	s17 =	simm.s32 @p3 $0x0  }
0x17: {  	[sflag:s20] =	ssyncadd.s32 @!p1 $0xFFFFC000;
	s18 =	simm.s32 @p4 $0x0;
	s12 =	smov.u32 s9  }
0x18: {  	s9 =	smov.u32 s17;
	s10 =	smov.u32 s18;
	s11 =	smov.u32 s19  }
.LBB1_1:
0x19: {  	p1 =	sgt.u32 s7, $0x2F  }
0x1a: {  	s16 =	sshrl.u32 @!p1 s9, $0x3  }
0x1b: {  	s17 =	sshll.u32 @!p1 s8, $0x3;
	s16 =	smul.u32 @!p1 $0x1800, s16  }
0x1c: {  	s18 =	sshll.u32 @!p1 s9, $0x7;
	s17 =	sand.u32 @!p1 $0xFFFFFC00, s17  }
0x1d: {  	s16 =	sadd.s32 @!p1 s16, s17;
	s17 =	sand.u32 @!p1 $0x380, s18  }
0x1e: {  	s18 =	sand.u32 @!p1 $0x7F, s8;
	s16 =	sor.u32 @!p1 s17, s16  }
0x1f: {  	s17 =	sor.u32 @!p1 s18, s16  }
0x20: {  	s18 =	smulhi.u32 @!p1 $0xAAAAAAAB, s17  }
0x21: {  	s16 =	smulhi.u32 @!p1 $0xAAAAAAAB, s16  }
0x22: {  	s20 =	smul.u32 @!p1 $0x6000, s11;
	s18 =	sshrl.u32 @!p1 s18, $0x9  }
0x23: {  	s19 =	sxor.u32 @!p1 $0xFFFFFFFF, s7;
	s16 =	sshrl.u32 @!p1 s16, $0x9;
	s18 =	smul.u32 @!p1 $0x300, s18  }
0x24: {  	s21 =	smul.u32 @!p1 $0xC00, s10;
	s19 =	sshll.u32 @!p1 s19, $0xE;
	s16 =	sand.u32 @!p1 $0x1F, s16  }
0x25: {  	s16 =	smul.u32 @!p1 $0x60, s16;
	s17 =	ssub.s32 @!p1 s17, s18;
	s18 =	sadd.s32 @!p1 s2, s20  }
0x26: {  	s19 =	sand.u32 @!p1 $0x4000, s19;
	s18 =	sadd.s32 @!p1 s21, s18;
	s20 =	sand.u32 @!p1 $0x7, s17  }
0x27: {  	s17 =	sshrl.u32 @!p1 s17, $0x3;
	s16 =	sadd.s32 @!p1 s16, s18;
	s18 =	sshll.u32 @!p1 s20, $0x12  }
0x28: {  	s16 =	sadd.s32 @!p1 s17, s16;
	s17 =	sor.u32 @!p1 $0x400, s18;
	s18 =	simm.s32 @!p1 $0x1800  }
0x29: {  	[tilespmem:s19], [sflag:$0x1] =	stream.strided.gather @!p1 [hbm4b:s16+s17], $0x4000, s18, s17, $0x38;
	[tilespmem:$0x10000] =	vst v63  }
0x2a: {  	p1 =	seq.s32 s7, $0x0  }
0x2b: {  	p2 =	seq.s32 @!p1 s7, $0x31  }
0x2c: {  	p1 =	por p1, p2  }
.Ltmp2:
0x2d: {  	_ = 	snop;
	(pc) =	sbr.rel @p1 .LBB1_7-.Ltmp2, $1  }
0x2e: {  	_ =	sdelay $0x3  }
0x2f: {  	s16 =	simm.s32 $0x1;
	_ =	swait.ge [sflag:s4], $0x4000;
	s19 =	sshll.u32 s7, $0xE  }
0x30: {  	s16 =	simm.s32 @!p0 $0x0;
	[sflag:s4] =	ssyncset.done $0x0;
	s31 =	sand.u32 $0x4000, s19  }
0x31: {  	s19 =	simm.s32 $0x0;
	s16 =	sshll.u32 s16, $0xE;
	[sflag:s4] =	ssyncadd.s32 $0xFFFFC000  }
0x32: {  	s17 =	sor.u32 $0x8040, s16;
	s18 =	sor.u32 $0x40, s16;
	s16 =	sor.u32 $0x8000, s31  }
.LBB1_3:
0x33: {  	v0 =	vmov s18;
	_ =	sdelay $0x3  }
0x34: {  	s21 =	simm.s32 $0x0  }
0x35: {  	v6 =	vld.idx.msk [tilespmem:v0+s21+$0x30 ss:$0x1], $0xffff  }
0x36: {  	v7 =	vld.idx.msk [tilespmem:v0+s21+$0xFFFFFFC0 ss:$0x1], $0xffff  }
0x37: {  	v5 =	vld.idx.msk [tilespmem:v0+s21+$0xFFFFFFD0 ss:$0x1], $0xffff  }
0x38: {  	v4 =	vld.idx.msk [tilespmem:v0+s21+$0xFFFFFFE0 ss:$0x1], $0xffff  }
0x39: {  	v3 =	vld.idx.msk [tilespmem:v0+s21+$0xFFFFFFF0 ss:$0x1], $0xffff  }
0x3a: {  	v1 =	vld.idx.msk [tilespmem:v0+s21+$0x0 ss:$0x1], $0xffff  }
0x3b: {  	v2 =	vld.idx.msk [tilespmem:v0+s21+$0x10 ss:$0x1], $0xffff;
	[tilespmem:s17+$0x30] =	vst v6  }
0x3c: {  	s20 =	simm.s32 $0x80;
	s22 =	simm.s32 $0x400;
	[tilespmem:s17+$0xFFFFFFC0] =	vst v7;
	v6 =	vld.idx.msk [tilespmem:v0+s21+$0x20 ss:$0x1], $0xffff;
	s21 =	smov.u32 s17  }
.LBB1_4:
0x3d: {  	p1 =	sne.s32 s22, $0x3E00;
	v7 =	vld.idx.msk [tilespmem:v0+s20+$0x30 ss:$0x1], $0xffff;
	[tilespmem:s21+$0xFFFFFFD0] =	vst v5  }
0x3e: {  	v8 =	vld.idx.msk [tilespmem:v0+s20+$0xFFFFFFC0 ss:$0x1], $0xffff;
	[tilespmem:s21+$0xFFFFFFE0] =	vst v4  }
0x3f: {  	v5 =	vld.idx.msk [tilespmem:v0+s20+$0xFFFFFFD0 ss:$0x1], $0xffff;
	[tilespmem:s21+$0xFFFFFFF0] =	vst v3  }
.Ltmp3:
0x40: {  	v4 =	vld.idx.msk [tilespmem:v0+s20+$0xFFFFFFE0 ss:$0x1], $0xffff;
	[tilespmem:s21+$0x0] =	vst v1;
	(pc) =	sbr.rel @p1 .LBB1_4-.Ltmp3, $4  }
0x41: {  	v3 =	vld.idx.msk [tilespmem:v0+s20+$0xFFFFFFF0 ss:$0x1], $0xffff;
	[tilespmem:s21+$0x10] =	vst v2  }
0x42: {  	v1 =	vld.idx.msk [tilespmem:v0+s20+$0x0 ss:$0x1], $0xffff;
	[tilespmem:s21+$0x20] =	vst v6;
	s21 =	sadd.s32 $0x200, s21  }
0x43: {  	v2 =	vld.idx.msk [tilespmem:v0+s20+$0x10 ss:$0x1], $0xffff;
	[tilespmem:s21+$0x30] =	vst v7  }
0x44: {  	[tilespmem:s21+$0xFFFFFFC0] =	vst v8;
	v6 =	vld.idx.msk [tilespmem:v0+s20+$0x20 ss:$0x1], $0xffff;
	s20 =	sshra.s32 s22, $0x2;
	s22 =	sadd.s32 $0x200, s22  }
0x45: {  	_ =	sdelay $0x2  }
0x46: {  	[tilespmem:s21+$0xFFFFFFD0] =	vst v5  }
0x47: {  	v56 =	vld.idx.msk [tilespmem:v0+s20+$0x30 ss:$0x1], $0xffff;
	[tilespmem:s21+$0xFFFFFFE0] =	vst v4  }
0x48: {  	v57 =	vld.idx.msk [tilespmem:v0+s20+$0xFFFFFFC0 ss:$0x1], $0xffff;
	[tilespmem:s21+$0xFFFFFFF0] =	vst v3  }
0x49: {  	v58 =	vld.idx.msk [tilespmem:v0+s20+$0xFFFFFFD0 ss:$0x1], $0xffff;
	[tilespmem:s21+$0x0] =	vst v1  }
0x4a: {  	v59 =	vld.idx.msk [tilespmem:v0+s20+$0xFFFFFFE0 ss:$0x1], $0xffff;
	[tilespmem:s21+$0x10] =	vst v2  }
0x4b: {  	v60 =	vld.idx.msk [tilespmem:v0+s20+$0xFFFFFFF0 ss:$0x1], $0xffff;
	s31 =	sadd.s32 $0x200, s21;
	[tilespmem:s21+$0x20] =	vst v6  }
0x4c: {  	v61 =	vld.idx.msk [tilespmem:v0+s20+$0x0 ss:$0x1], $0xffff;
	[tilespmem:s31+$0x30] =	vst v56  }
0x4d: {  	v62 =	vld.idx.msk [tilespmem:v0+s20+$0x10 ss:$0x1], $0xffff;
	s19 =	sadd.s32 $0x1, s19;
	[tilespmem:s31+$0xFFFFFFC0] =	vst v57  }
0x4e: {  	v63 =	vld.idx.msk [tilespmem:v0+s20+$0x20 ss:$0x1], $0xffff;
	p1 =	sne.s32 s19, $0x4;
	[tilespmem:s31+$0xFFFFFFD0] =	vst v58  }
.Ltmp4:
0x4f: {  	[tilespmem:s31+$0xFFFFFFE0] =	vst v59;
	(pc) =	sbr.rel @p1 .LBB1_3-.Ltmp4, $4  }
0x50: {  	[tilespmem:s31+$0xFFFFFFF0] =	vst v60  }
0x51: {  	[tilespmem:s31+$0x0] =	vst v61  }
0x52: {  	[tilespmem:s31+$0x10] =	vst v62  }
0x53: {  	s17 =	sadd.s32 $0x80, s17;
	s18 =	sadd.s32 $0x1000, s18;
	[tilespmem:s31+$0x20] =	vst v63  }
0x54: {  	s17 =	sshrl.u32 s15, $0x3  }
0x55: {  	s18 =	sshll.u32 s13, $0x3;
	s17 =	smul.u32 $0x1800, s17  }
0x56: {  	s27 =	sshll.u32 s15, $0x7;
	s18 =	sand.u32 $0xFFFFFC00, s18  }
0x57: {  	s15 =	sand.u32 $0x380, s27;
	s17 =	sadd.s32 s17, s18  }
0x58: {  	s28 =	sand.u32 $0x7F, s13;
	s15 =	sor.u32 s15, s17  }
0x59: {  	s13 =	sor.u32 s28, s15;
	s15 =	smulhi.u32 $0xAAAAAAAB, s15  }
0x5a: {  	s29 =	smulhi.u32 $0xAAAAAAAB, s13  }
0x5b: {  	s14 =	smul.u32 $0x6000, s14  }
0x5c: {  	s12 =	smul.u32 $0x300, s12;
	s15 =	sshrl.u32 s15, $0x9;
	s17 =	sshrl.u32 s29, $0x9  }
0x5d: {  	s15 =	sand.u32 $0x7, s15;
	s17 =	smul.u32 $0x300, s17  }
0x5e: {  	s15 =	smul.u32 $0x60, s15  }
.Ltmp5:
0x5f: {  	s14 =	sadd.s32 s3, s14;
	s13 =	ssub.s32 s13, s17;
	(pc) =	sbr.rel .LBB1_7-.Ltmp5, $4  }
0x60: {  	s12 =	sadd.s32 s12, s14;
	s30 =	sand.u32 $0x7, s13  }
0x61: {  	s12 =	sadd.s32 s15, s12;
	s13 =	sshrl.u32 s13, $0x3;
	s14 =	sshll.u32 s30, $0x12  }
0x62: {  	s12 =	sadd.s32 s13, s12;
	s31 =	sor.u32 $0x200, s14  }
0x63: {  	[hbm4b:s12+s31] =	stream.strided.scatter [tilespmem:s16], [sflag:$0x2], $0x4000, s6, s31, $0x38;
	[tilespmem:$0x10000] =	vst v63  }
.LBB1_8:
0x64: {  	_ =	sfence.sel $0x180000  }
0x65: {  	s2 =	simm.s32 $0x1;
	[bflag:$0x0] =	sbarrier.arrive $0xFFFF  }
0x66: {  	s31 =	simm.s32 $0x2;
	[sflag:s2] =	ssyncpa.u1 $0x1  }
0x67: {  	[sflag:s31] =	ssyncpa.u1 $0x1  }
0x68: {  	p0 =	sne.s32 s1, $0x0;
	_ =	strace $0x90000047  }
0x69: {  	s0 =	sadd.s32 @!p0 $0x100000, s0;
	[bflag:$0x2] =	sbarrier.arrive $0xFFFF  }
0x6a: {  	[sflag:s0] =	ssyncadd.tile.s32 @!p0 $0x1;
	_ =	shalt  }
.Lfunc_end1:
_tile_overlayer_lowered:
.L_overlay_start_2:
0x6b: {  	(tag) =	ssettag $0x2  }
0x6c: {  	s0 =	rddreg [dreg:$0x0];
	s2 =	stileid.u32  }
0x6d: {  	s1 =	rddreg [dreg:$0x1];
	p0 =	sne.s32 s2, $0x0  }
0x6e: {  	s3 =	rddreg [dreg:$0x2];
	[bflag:$0x3] =	sbarrier.arrive $0xFFFF;
	s2 =	simm.s32 @!p0 $0x1C01  }
0x6f: {  	[timem:s3], [sflag:s2] =	dma.local @!p0 [hbm:s0], s1  }
0x70: {  	s0 =	simm.s32 @!p0 $0x1  }
0x71: {  	_ =	swait.ge @!p0 [sflag:s0], s1  }
0x72: {  	s1 =	ssub.s32 @!p0 $0x0, s1;
	[sflag:s0] =	ssyncset.done @!p0 $0x0  }
0x73: {  	[sflag:s0] =	ssyncadd.s32 @!p0 s1  }
0x74: {  	[bflag:$0x3] =	sbarrier.arrive $0xFFFF  }
0x75: {  	_ =	shalt  }

</sc_bundles>
